<compile_context>
chip_gen: v7x
topology: tpu7x:2x2x1
jax: 0.10.2.dev20260603
libtpu: 0.0.44.dev20260713+nightly
codegen_flags: <defaults>
</compile_context>

<pallas_src>
import functools

import jax
import jax.numpy as jnp
from jax import lax
from jax.experimental import pallas as pl
from jax.experimental.pallas import tpu as pltpu
from jax.experimental.pallas import tpu_sc as plsc

NB = 16384
NC, NS = 2, 16
NW = NC * NS
BPW = NB // NW
CH = 128
NCH = BPW // CH
NJOB = 3 * NCH
NBUF = 7

DT, DG, DF = 64, 32, 16
PB = 4096
BS = 2048
GN = 2


def _proj2_body(tva_ref, tvb_ref, w_ref, out_ref):
    wb16 = w_ref[...].astype(jnp.bfloat16)
    pa = lax.dot_general(tva_ref[...].astype(jnp.bfloat16), wb16,
                         (((0,), (0,)), ((), ())),
                         preferred_element_type=jnp.float32)
    pb = lax.dot_general(tvb_ref[...].astype(jnp.bfloat16), wb16,
                         (((0,), (0,)), ((), ())),
                         preferred_element_type=jnp.float32)
    out_ref[...] = jnp.concatenate([pa, pb], axis=-1)


def _project2(table_t, w):
    d, v = table_t.shape
    nblk = pl.cdiv(v, PB)
    npair = pl.cdiv(nblk, 2)
    last = nblk - 1
    return pl.pallas_call(
        _proj2_body,
        grid=(npair,),
        in_specs=[
            pl.BlockSpec((d, PB), lambda i: (0, 2 * i)),
            pl.BlockSpec((d, PB), lambda i: (0, jnp.minimum(2 * i + 1, last))),
            pl.BlockSpec((d, 64), lambda i: (0, 0)),
        ],
        out_specs=pl.BlockSpec((PB, 128), lambda i: (i, 0)),
        out_shape=jax.ShapeDtypeStruct((npair * PB, 128), jnp.float32),
    )(table_t, table_t, w)


def _dotp(a_ref, w_ref):
    return lax.dot_general(a_ref[...].astype(jnp.bfloat16),
                           w_ref[...].astype(jnp.bfloat16),
                           (((0,), (0,)), ((), ())),
                           preferred_element_type=jnp.float32)


def _proj_gf_body(tga_ref, tgb_ref, wg_ref, tfa_ref, tfb_ref, wf_ref,
                  outg_ref, outf_ref):
    i = pl.program_id(0)

    @pl.when(i < GN)
    def _():
        outg_ref[...] = jnp.concatenate(
            [_dotp(tga_ref, wg_ref), _dotp(tgb_ref, wg_ref)], axis=-1)

    @pl.when(i == GN)
    def _():
        outf_ref[...] = jnp.concatenate(
            [_dotp(tfa_ref, wf_ref), _dotp(tfb_ref, wf_ref)], axis=-1)


def _project_gf(tg, wg, tf, wf):
    vg = tg.shape[1]
    glast = pl.cdiv(vg, PB) - 1
    return pl.pallas_call(
        _proj_gf_body,
        grid=(GN + 1,),
        in_specs=[
            pl.BlockSpec((DG, PB), lambda i: (0, jnp.minimum(2 * i, glast))),
            pl.BlockSpec((DG, PB),
                         lambda i: (0, jnp.minimum(2 * i + 1, glast))),
            pl.BlockSpec((DG, 64), lambda i: (0, 0)),
            pl.BlockSpec((DF, PB), lambda i: (0, 0)),
            pl.BlockSpec((DF, PB), lambda i: (0, 0)),
            pl.BlockSpec((DF, 64), lambda i: (0, 0)),
        ],
        out_specs=[
            pl.BlockSpec((PB, 128), lambda i: (jnp.minimum(i, GN - 1), 0)),
            pl.BlockSpec((PB, 128), lambda i: (0, 0)),
        ],
        out_shape=[
            jax.ShapeDtypeStruct((GN * PB, 128), jnp.float32),
            jax.ShapeDtypeStruct((PB, 128), jnp.float32),
        ],
    )(tg, tg, wg, tf, tf, wf)


def _sc_body_factory(ntab):
    njob = ntab * NCH
    nbuf = min(NBUF, njob)

    def body(*refs):
        idx_hbms = refs[0:ntab]
        tbls = refs[ntab:2 * ntab]
        outs = refs[2 * ntab:3 * ntab]
        idxs = refs[3 * ntab:4 * ntab]
        bufs = refs[4 * ntab]
        gsem = refs[4 * ntab + 1]
        wsem = refs[4 * ntab + 2]
        wid = lax.axis_index("s") * NC + lax.axis_index("c")
        base = wid * BPW
        crow = wid * NCH
        for ih, iv in zip(idx_hbms, idxs):
            pltpu.sync_copy(ih.at[pl.ds(crow, NCH)], iv)
        jobs = [(tbls[tt], idxs[tt], j)
                for tt in range(ntab) for j in range(NCH)]

        def fire(k):
            tbl, idx, j = jobs[k]
            return pltpu.async_copy(tbl.at[idx.at[j]], bufs.at[k % nbuf], gsem)

        gath = [None] * njob
        wb = [None] * njob
        nprime = min(nbuf, njob)
        for k in range(nprime):
            gath[k] = fire(k)
        for k in range(njob):
            gath[k].wait()
            _, _, j = jobs[k]
            wb[k] = pltpu.async_copy(
                bufs.at[k % nbuf],
                outs[k // NCH].at[pl.ds(base + j * CH, CH)], wsem)
            m = k + nprime
            if m < njob:
                wb[m - nbuf].wait()
                gath[m] = fire(m)
        for k in range(max(0, njob - nbuf), njob):
            wb[k].wait()

    return body


@functools.lru_cache(maxsize=4)
def _make_sc_gather(ntab):
    nbuf = min(NBUF, ntab * NCH)
    return pl.kernel(
        _sc_body_factory(ntab),
        mesh=plsc.VectorSubcoreMesh(core_axis_name="c", subcore_axis_name="s"),
        out_type=[jax.ShapeDtypeStruct((NB, 128), jnp.float32)
                  for _ in range(ntab)],
        scratch_types=(
            [pltpu.VMEM((NCH, CH), jnp.int32) for _ in range(ntab)]
            + [pltpu.VMEM((nbuf, CH, 128), jnp.float32),
               pltpu.SemaphoreType.DMA,
               pltpu.SemaphoreType.DMA]
        ),
    )


def _half(x_t, sel):
    return jnp.where(sel, x_t[64:, :], x_t[:64, :])


def _tc_body(t_ref, g_ref, f_ref, sel_ref, dt_ref, cty_ref, dur_ref,
             bt_ref, wcd_ref, wcc_ref, bc_ref, wn_ref, bn_ref, out_ref):
    sbits = sel_ref[...][None, :]
    t_t = jnp.transpose(t_ref[...])
    g_t = jnp.transpose(g_ref[...])
    f_t = jnp.transpose(f_ref[...])
    tax = (_half(t_t, (sbits & 1) > 0)
           + _half(g_t, (sbits & 2) > 0)
           + _half(f_t, (sbits & 4) > 0)
           + bt_ref[...])
    tax = jnp.maximum(tax, 0.0)
    dt_row = dt_ref[...][None, :]
    cty_row = cty_ref[...][None, :]
    oh_d = (lax.broadcasted_iota(jnp.int32, (16, BS), 0)
            == dt_row).astype(jnp.float32)
    oh_c = (lax.broadcasted_iota(jnp.int32, (256, BS), 0)
            == cty_row).astype(jnp.float32)
    cat = (lax.dot_general(wcd_ref[...], oh_d, (((0,), (0,)), ((), ())),
                           preferred_element_type=jnp.float32)
           + lax.dot_general(wcc_ref[...], oh_c, (((0,), (0,)), ((), ())),
                             preferred_element_type=jnp.float32)
           + bc_ref[...])
    cat = jnp.maximum(cat, 0.0)
    dur_row = dur_ref[...][None, :]
    num = jnp.maximum(
        lax.dot_general(wn_ref[...], dur_row, (((0,), (0,)), ((), ())),
                        preferred_element_type=jnp.float32) + bn_ref[...],
        0.0)
    out_ref[...] = jnp.concatenate([tax, cat, num], axis=0)


PSH = PB.bit_length() - 1


def _pack_idx(idx, v):
    idx = idx.astype(jnp.int32)
    row = (idx >> (PSH + 1)) * PB + (idx & (PB - 1))
    side = (idx >> PSH) & 1
    return row, side


def kernel(taxid, genus, family, device_type, country, duration,
           emb_taxid, emb_genus, emb_family, Wt, bt, Wc, bc, Wn, bn):
    pg, pf = _project_gf(emb_genus.T, Wt[DT:DT + DG],
                         emb_family.T, Wt[DT + DG:])

    row_g, side_g = _pack_idx(genus, pg.shape[0])
    row_f, side_f = _pack_idx(family, pf.shape[0])
    g, f = _make_sc_gather(2)(
        row_g.reshape(NB // CH, CH), row_f.reshape(NB // CH, CH), pg, pf)

    pt = _project2(emb_taxid.T, Wt[0:DT])
    row_t, side_t = _pack_idx(taxid, pt.shape[0])
    selbits = (side_t | (side_g << 1) | (side_f << 2)).astype(jnp.int32)
    t = _make_sc_gather(1)(row_t.reshape(NB // CH, CH), pt)
    if isinstance(t, (list, tuple)):
        t = t[0]

    dt1 = device_type.astype(jnp.int32)
    cty1 = country.astype(jnp.int32)
    bt2 = bt.reshape(DT, 1)
    wcd, wcc = Wc[0:16], Wc[16:]
    bc2 = bc.reshape(16, 1)
    bn2 = bn.reshape(16, 1)

    out_t = pl.pallas_call(
        _tc_body,
        grid=(NB // BS,),
        in_specs=[
            pl.BlockSpec((BS, 128), lambda i: (i, 0)),
            pl.BlockSpec((BS, 128), lambda i: (i, 0)),
            pl.BlockSpec((BS, 128), lambda i: (i, 0)),
            pl.BlockSpec((BS,), lambda i: (i,)),
            pl.BlockSpec((BS,), lambda i: (i,)),
            pl.BlockSpec((BS,), lambda i: (i,)),
            pl.BlockSpec((BS,), lambda i: (i,)),
            pl.BlockSpec((DT, 1), lambda i: (0, 0)),
            pl.BlockSpec((16, 16), lambda i: (0, 0)),
            pl.BlockSpec((256, 16), lambda i: (0, 0)),
            pl.BlockSpec((16, 1), lambda i: (0, 0)),
            pl.BlockSpec((1, 16), lambda i: (0, 0)),
            pl.BlockSpec((16, 1), lambda i: (0, 0)),
        ],
        out_specs=pl.BlockSpec((96, BS), lambda i: (0, i)),
        out_shape=jax.ShapeDtypeStruct((96, NB), jnp.float32),
    )(t, g, f, selbits, dt1, cty1, duration,
      bt2, wcd, wcc, bc2, Wn, bn2)
    return out_t.T

# --- scband reference (transcript-rebuilt; emitter-appended) ---
"""Pipeline reference for scband-meta-encoder-39436389712072 (READ-ONLY COPY).

The authoritative reference and input builder live on the scoring server;
editing this copy changes nothing except your own understanding.
"""

import jax, jax.numpy as jnp
import numpy as np

B = 16384

def setup_inputs(seed: int = 0) -> dict:
    key = jax.random.key(seed)
    ks = jax.random.split(key, 12)
    taxid = jax.random.randint(ks[0], (B,), 0, 100000)
    genus = jax.random.randint(ks[1], (B,), 0, 10000)
    family = jax.random.randint(ks[2], (B,), 0, 2000)
    device_type = jax.random.randint(ks[3], (B,), 0, 16)
    country = jax.random.randint(ks[4], (B,), 0, 256)
    duration = jax.random.uniform(ks[5], (B,), dtype=jnp.float32)
    emb_taxid = jax.random.normal(ks[6], (100000, 64), dtype=jnp.float32) * 0.02
    emb_genus = jax.random.normal(ks[7], (10000, 32), dtype=jnp.float32) * 0.02
    emb_family = jax.random.normal(ks[8], (2000, 16), dtype=jnp.float32) * 0.02
    Wt = jax.random.normal(ks[9], (112, 64), dtype=jnp.float32) * 0.05
    bt = jnp.zeros((64,), dtype=jnp.float32)
    Wc = jax.random.normal(ks[10], (272, 16), dtype=jnp.float32) * 0.05
    bc = jnp.zeros((16,), dtype=jnp.float32)
    Wn = jax.random.normal(ks[11], (1, 16), dtype=jnp.float32) * 0.05
    bn = jnp.zeros((16,), dtype=jnp.float32)
    return {"taxid": taxid, "genus": genus, "family": family, "device_type": device_type,
            "country": country, "duration": duration, "emb_taxid": emb_taxid,
            "emb_genus": emb_genus, "emb_family": emb_family, "Wt": Wt, "bt": bt,
            "Wc": Wc, "bc": bc, "Wn": Wn, "bn": bn}


def reference(taxid, genus, family, device_type, country, duration,
              emb_taxid, emb_genus, emb_family, Wt, bt, Wc, bc, Wn, bn):
    # TaxonomyEncoder: per-column embedding lookups -> concat -> Linear -> ReLU (dropout is identity in eval)
    tax_in = jnp.concatenate([jnp.take(emb_taxid, taxid, axis=0),
                              jnp.take(emb_genus, genus, axis=0),
                              jnp.take(emb_family, family, axis=0)], axis=-1)
    tax = jax.nn.relu(tax_in @ Wt + bt)
    # CategoricalOneHot: one-hot each column -> concat -> Linear -> ReLU
    cat_in = jnp.concatenate([jax.nn.one_hot(device_type, 16, dtype=jnp.float32),
                              jax.nn.one_hot(country, 256, dtype=jnp.float32)], axis=-1)
    cat = jax.nn.relu(cat_in @ Wc + bc)
    # NumericalEncoder: duration -> [B,1] -> Linear -> ReLU
    num = jax.nn.relu(duration[:, None] @ Wn + bn)
    # MetaEncoder concat order: tax, (no pretrained), categorical, numeric
    return jnp.concatenate([tax, cat, num], axis=-1)

if __name__ == "__main__":
    import jax
    _d = setup_inputs()
    print(jax.jit(kernel)(*tuple(_d.values())))

</pallas_src>

<mosaic_0001>
#map = affine_map<(d0, d1) -> (0, 0)>
module attributes {stable_mosaic.version = 14 : i64} {
  func.func @body(%arg0: i32, %arg1: i32, %arg2: memref<128x128xi32, #tpu.memory_space<hbm>>, %arg3: memref<128x128xi32, #tpu.memory_space<hbm>>, %arg4: memref<8192x128xf32, #tpu.memory_space<hbm>>, %arg5: memref<4096x128xf32, #tpu.memory_space<hbm>>, %arg6: memref<16384x128xf32, #tpu.memory_space<hbm>>, %arg7: memref<16384x128xf32, #tpu.memory_space<hbm>>, %arg8: memref<4x128xi32, #tpu.memory_space<vmem>>, %arg9: memref<4x128xi32, #tpu.memory_space<vmem>>, %arg10: memref<7x128x128xf32, #tpu.memory_space<vmem>>, %arg11: memref<!tpu.dma_semaphore, #tpu.memory_space<semaphore_mem>>, %arg12: memref<!tpu.dma_semaphore, #tpu.memory_space<semaphore_mem>>) attributes {dimension_semantics = [#tpu.dimension_semantics<core_parallel>, #tpu.dimension_semantics<subcore_parallel>], iteration_bounds = array<i64: 2, 16>, scalar_prefetch = 0 : i64, scratch_operands = 5 : i64, tpu.core_type = #tpu.core_type<sc_vector_subcore>, window_params = [{transform_indices = #map}, {transform_indices = #map}, {transform_indices = #map}, {transform_indices = #map}, {transform_indices = #map}, {transform_indices = #map}]} {
    %mul3A = arith.constant 2 : i32
    %mul3A_0 = arith.muli %arg1, %mul3A : i32
    %add3A = arith.addi %mul3A_0, %arg0 : i32
    %mul3A_1 = arith.constant 512 : i32
    %mul3A_2 = arith.muli %add3A, %mul3A_1 : i32
    %mul3A_3 = arith.constant 4 : i32
    %mul3A_4 = arith.muli %add3A, %mul3A_3 : i32
    "tpu.region"() ({
      %run_scoped3A = tpu.sem_alloc : memref<!tpu.dma_semaphore, #tpu.memory_space<semaphore_mem>>
      %dma_start3A_419 = arith.constant 0 : i32
      %dma_start3A_420 = tpu.memref_slice %arg2[%mul3A_4, %dma_start3A_419] : memref<128x128xi32, #tpu.memory_space<hbm>> -> memref<4x128xi32, #tpu.memory_space<hbm>>
      %dma_start3A_421 = arith.constant 0 : i32
      %dma_start3A_422 = tpu.memref_slice %arg2[%mul3A_4, %dma_start3A_421] : memref<128x128xi32, #tpu.memory_space<hbm>> -> memref<4x128xi32, #tpu.memory_space<hbm>>
      tpu.enqueue_dma source(%dma_start3A_422 : memref<4x128xi32, #tpu.memory_space<hbm>>) target(%arg8 : memref<4x128xi32, #tpu.memory_space<vmem>>) target_semaphore(%run_scoped3A : memref<!tpu.dma_semaphore, #tpu.memory_space<semaphore_mem>>)
      %dma_wait3A_423 = arith.constant 0 : i32
      %dma_wait3A_424 = tpu.memref_slice %arg2[%mul3A_4, %dma_wait3A_423] : memref<128x128xi32, #tpu.memory_space<hbm>> -> memref<4x128xi32, #tpu.memory_space<hbm>>
      %dma_wait3A_425 = arith.constant 0 : i32
      %dma_wait3A_426 = tpu.memref_slice %arg2[%mul3A_4, %dma_wait3A_425] : memref<128x128xi32, #tpu.memory_space<hbm>> -> memref<4x128xi32, #tpu.memory_space<hbm>>
      tpu.wait_dma2 semaphore(%run_scoped3A : memref<!tpu.dma_semaphore, #tpu.memory_space<semaphore_mem>>) src(%dma_wait3A_426 : memref<4x128xi32, #tpu.memory_space<hbm>>) dst(%arg8 : memref<4x128xi32, #tpu.memory_space<vmem>>)
      tpu.yield
    }) : () -> ()
    "tpu.region"() ({
      %run_scoped3A = tpu.sem_alloc : memref<!tpu.dma_semaphore, #tpu.memory_space<semaphore_mem>>
      %dma_start3A_419 = arith.constant 0 : i32
      %dma_start3A_420 = tpu.memref_slice %arg3[%mul3A_4, %dma_start3A_419] : memref<128x128xi32, #tpu.memory_space<hbm>> -> memref<4x128xi32, #tpu.memory_space<hbm>>
      %dma_start3A_421 = arith.constant 0 : i32
      %dma_start3A_422 = tpu.memref_slice %arg3[%mul3A_4, %dma_start3A_421] : memref<128x128xi32, #tpu.memory_space<hbm>> -> memref<4x128xi32, #tpu.memory_space<hbm>>
      tpu.enqueue_dma source(%dma_start3A_422 : memref<4x128xi32, #tpu.memory_space<hbm>>) target(%arg9 : memref<4x128xi32, #tpu.memory_space<vmem>>) target_semaphore(%run_scoped3A : memref<!tpu.dma_semaphore, #tpu.memory_space<semaphore_mem>>)
      %dma_wait3A_423 = arith.constant 0 : i32
      %dma_wait3A_424 = tpu.memref_slice %arg3[%mul3A_4, %dma_wait3A_423] : memref<128x128xi32, #tpu.memory_space<hbm>> -> memref<4x128xi32, #tpu.memory_space<hbm>>
      %dma_wait3A_425 = arith.constant 0 : i32
      %dma_wait3A_426 = tpu.memref_slice %arg3[%mul3A_4, %dma_wait3A_425] : memref<128x128xi32, #tpu.memory_space<hbm>> -> memref<4x128xi32, #tpu.memory_space<hbm>>
      tpu.wait_dma2 semaphore(%run_scoped3A : memref<!tpu.dma_semaphore, #tpu.memory_space<semaphore_mem>>) src(%dma_wait3A_426 : memref<4x128xi32, #tpu.memory_space<hbm>>) dst(%arg9 : memref<4x128xi32, #tpu.memory_space<vmem>>)
      tpu.yield
    }) : () -> ()
    %dma_start3A = arith.constant 0 : i32
    %dma_start3A_5 = arith.constant 0 : i32
    %dma_start3A_6 = arith.constant 0 : i32
    %dma_start3A_7 = arith.constant 0 : i32
    %dma_start3A_8 = tpu.memref_slice %arg10[%dma_start3A_5, %dma_start3A_6, %dma_start3A_7] : memref<7x128x128xf32, #tpu.memory_space<vmem>> -> memref<1x128x128xf32, #tpu.memory_space<vmem>>
    %dma_start3A_9 = tpu.memref_squeeze %dma_start3A_8 : memref<1x128x128xf32, #tpu.memory_space<vmem>> -> memref<128x128xf32, #tpu.memory_space<vmem>>
    %dma_start3A_10 = arith.constant 0 : i32
    %dma_start3A_11 = tpu.memref_slice %arg8[%dma_start3A, %dma_start3A_10] : memref<4x128xi32, #tpu.memory_space<vmem>> -> memref<1x128xi32, #tpu.memory_space<vmem>>
    %dma_start3A_12 = tpu.memref_squeeze %dma_start3A_11 : memref<1x128xi32, #tpu.memory_space<vmem>> -> memref<128xi32, #tpu.memory_space<vmem>>
    %dma_start3A_13 = arith.constant 0 : i32
    %dma_start3A_14 = arith.constant 0 : i32
    %dma_start3A_15 = tpu.memref_slice %arg4[%dma_start3A_13, %dma_start3A_14] : memref<8192x128xf32, #tpu.memory_space<hbm>> -> memref<8192x128xf32, #tpu.memory_space<hbm>>
    tpu.enqueue_indirect_dma source(%dma_start3A_15 : memref<8192x128xf32, #tpu.memory_space<hbm>>) target(%dma_start3A_9 : memref<128x128xf32, #tpu.memory_space<vmem>>) offsets(%dma_start3A_12 : memref<128xi32, #tpu.memory_space<vmem>>) semaphore(%arg11 : memref<!tpu.dma_semaphore, #tpu.memory_space<semaphore_mem>>)
    %dma_start3A_16 = arith.constant 1 : i32
    %dma_start3A_17 = arith.constant 1 : i32
    %dma_start3A_18 = arith.constant 0 : i32
    %dma_start3A_19 = arith.constant 0 : i32
    %dma_start3A_20 = tpu.memref_slice %arg10[%dma_start3A_17, %dma_start3A_18, %dma_start3A_19] : memref<7x128x128xf32, #tpu.memory_space<vmem>> -> memref<1x128x128xf32, #tpu.memory_space<vmem>>
    %dma_start3A_21 = tpu.memref_squeeze %dma_start3A_20 : memref<1x128x128xf32, #tpu.memory_space<vmem>> -> memref<128x128xf32, #tpu.memory_space<vmem>>
    %dma_start3A_22 = arith.constant 0 : i32
    %dma_start3A_23 = tpu.memref_slice %arg8[%dma_start3A_16, %dma_start3A_22] : memref<4x128xi32, #tpu.memory_space<vmem>> -> memref<1x128xi32, #tpu.memory_space<vmem>>
    %dma_start3A_24 = tpu.memref_squeeze %dma_start3A_23 : memref<1x128xi32, #tpu.memory_space<vmem>> -> memref<128xi32, #tpu.memory_space<vmem>>
    %dma_start3A_25 = arith.constant 0 : i32
    %dma_start3A_26 = arith.constant 0 : i32
    %dma_start3A_27 = tpu.memref_slice %arg4[%dma_start3A_25, %dma_start3A_26] : memref<8192x128xf32, #tpu.memory_space<hbm>> -> memref<8192x128xf32, #tpu.memory_space<hbm>>
    tpu.enqueue_indirect_dma source(%dma_start3A_27 : memref<8192x128xf32, #tpu.memory_space<hbm>>) target(%dma_start3A_21 : memref<128x128xf32, #tpu.memory_space<vmem>>) offsets(%dma_start3A_24 : memref<128xi32, #tpu.memory_space<vmem>>) semaphore(%arg11 : memref<!tpu.dma_semaphore, #tpu.memory_space<semaphore_mem>>)
    %dma_start3A_28 = arith.constant 2 : i32
    %dma_start3A_29 = arith.constant 2 : i32
    %dma_start3A_30 = arith.constant 0 : i32
    %dma_start3A_31 = arith.constant 0 : i32
    %dma_start3A_32 = tpu.memref_slice %arg10[%dma_start3A_29, %dma_start3A_30, %dma_start3A_31] : memref<7x128x128xf32, #tpu.memory_space<vmem>> -> memref<1x128x128xf32, #tpu.memory_space<vmem>>
    %dma_start3A_33 = tpu.memref_squeeze %dma_start3A_32 : memref<1x128x128xf32, #tpu.memory_space<vmem>> -> memref<128x128xf32, #tpu.memory_space<vmem>>
    %dma_start3A_34 = arith.constant 0 : i32
    %dma_start3A_35 = tpu.memref_slice %arg8[%dma_start3A_28, %dma_start3A_34] : memref<4x128xi32, #tpu.memory_space<vmem>> -> memref<1x128xi32, #tpu.memory_space<vmem>>
    %dma_start3A_36 = tpu.memref_squeeze %dma_start3A_35 : memref<1x128xi32, #tpu.memory_space<vmem>> -> memref<128xi32, #tpu.memory_space<vmem>>
    %dma_start3A_37 = arith.constant 0 : i32
    %dma_start3A_38 = arith.constant 0 : i32
    %dma_start3A_39 = tpu.memref_slice %arg4[%dma_start3A_37, %dma_start3A_38] : memref<8192x128xf32, #tpu.memory_space<hbm>> -> memref<8192x128xf32, #tpu.memory_space<hbm>>
    tpu.enqueue_indirect_dma source(%dma_start3A_39 : memref<8192x128xf32, #tpu.memory_space<hbm>>) target(%dma_start3A_33 : memref<128x128xf32, #tpu.memory_space<vmem>>) offsets(%dma_start3A_36 : memref<128xi32, #tpu.memory_space<vmem>>) semaphore(%arg11 : memref<!tpu.dma_semaphore, #tpu.memory_space<semaphore_mem>>)
    %dma_start3A_40 = arith.constant 3 : i32
    %dma_start3A_41 = arith.constant 3 : i32
    %dma_start3A_42 = arith.constant 0 : i32
    %dma_start3A_43 = arith.constant 0 : i32
    %dma_start3A_44 = tpu.memref_slice %arg10[%dma_start3A_41, %dma_start3A_42, %dma_start3A_43] : memref<7x128x128xf32, #tpu.memory_space<vmem>> -> memref<1x128x128xf32, #tpu.memory_space<vmem>>
    %dma_start3A_45 = tpu.memref_squeeze %dma_start3A_44 : memref<1x128x128xf32, #tpu.memory_space<vmem>> -> memref<128x128xf32, #tpu.memory_space<vmem>>
    %dma_start3A_46 = arith.constant 0 : i32
    %dma_start3A_47 = tpu.memref_slice %arg8[%dma_start3A_40, %dma_start3A_46] : memref<4x128xi32, #tpu.memory_space<vmem>> -> memref<1x128xi32, #tpu.memory_space<vmem>>
    %dma_start3A_48 = tpu.memref_squeeze %dma_start3A_47 : memref<1x128xi32, #tpu.memory_space<vmem>> -> memref<128xi32, #tpu.memory_space<vmem>>
    %dma_start3A_49 = arith.constant 0 : i32
    %dma_start3A_50 = arith.constant 0 : i32
    %dma_start3A_51 = tpu.memref_slice %arg4[%dma_start3A_49, %dma_start3A_50] : memref<8192x128xf32, #tpu.memory_space<hbm>> -> memref<8192x128xf32, #tpu.memory_space<hbm>>
    tpu.enqueue_indirect_dma source(%dma_start3A_51 : memref<8192x128xf32, #tpu.memory_space<hbm>>) target(%dma_start3A_45 : memref<128x128xf32, #tpu.memory_space<vmem>>) offsets(%dma_start3A_48 : memref<128xi32, #tpu.memory_space<vmem>>) semaphore(%arg11 : memref<!tpu.dma_semaphore, #tpu.memory_space<semaphore_mem>>)
    %dma_start3A_52 = arith.constant 0 : i32
    %dma_start3A_53 = arith.constant 4 : i32
    %dma_start3A_54 = arith.constant 0 : i32
    %dma_start3A_55 = arith.constant 0 : i32
    %dma_start3A_56 = tpu.memref_slice %arg10[%dma_start3A_53, %dma_start3A_54, %dma_start3A_55] : memref<7x128x128xf32, #tpu.memory_space<vmem>> -> memref<1x128x128xf32, #tpu.memory_space<vmem>>
    %dma_start3A_57 = tpu.memref_squeeze %dma_start3A_56 : memref<1x128x128xf32, #tpu.memory_space<vmem>> -> memref<128x128xf32, #tpu.memory_space<vmem>>
    %dma_start3A_58 = arith.constant 0 : i32
    %dma_start3A_59 = tpu.memref_slice %arg9[%dma_start3A_52, %dma_start3A_58] : memref<4x128xi32, #tpu.memory_space<vmem>> -> memref<1x128xi32, #tpu.memory_space<vmem>>
    %dma_start3A_60 = tpu.memref_squeeze %dma_start3A_59 : memref<1x128xi32, #tpu.memory_space<vmem>> -> memref<128xi32, #tpu.memory_space<vmem>>
    %dma_start3A_61 = arith.constant 0 : i32
    %dma_start3A_62 = arith.constant 0 : i32
    %dma_start3A_63 = tpu.memref_slice %arg5[%dma_start3A_61, %dma_start3A_62] : memref<4096x128xf32, #tpu.memory_space<hbm>> -> memref<4096x128xf32, #tpu.memory_space<hbm>>
    tpu.enqueue_indirect_dma source(%dma_start3A_63 : memref<4096x128xf32, #tpu.memory_space<hbm>>) target(%dma_start3A_57 : memref<128x128xf32, #tpu.memory_space<vmem>>) offsets(%dma_start3A_60 : memref<128xi32, #tpu.memory_space<vmem>>) semaphore(%arg11 : memref<!tpu.dma_semaphore, #tpu.memory_space<semaphore_mem>>)
    %dma_start3A_64 = arith.constant 1 : i32
    %dma_start3A_65 = arith.constant 5 : i32
    %dma_start3A_66 = arith.constant 0 : i32
    %dma_start3A_67 = arith.constant 0 : i32
    %dma_start3A_68 = tpu.memref_slice %arg10[%dma_start3A_65, %dma_start3A_66, %dma_start3A_67] : memref<7x128x128xf32, #tpu.memory_space<vmem>> -> memref<1x128x128xf32, #tpu.memory_space<vmem>>
    %dma_start3A_69 = tpu.memref_squeeze %dma_start3A_68 : memref<1x128x128xf32, #tpu.memory_space<vmem>> -> memref<128x128xf32, #tpu.memory_space<vmem>>
    %dma_start3A_70 = arith.constant 0 : i32
    %dma_start3A_71 = tpu.memref_slice %arg9[%dma_start3A_64, %dma_start3A_70] : memref<4x128xi32, #tpu.memory_space<vmem>> -> memref<1x128xi32, #tpu.memory_space<vmem>>
    %dma_start3A_72 = tpu.memref_squeeze %dma_start3A_71 : memref<1x128xi32, #tpu.memory_space<vmem>> -> memref<128xi32, #tpu.memory_space<vmem>>
    %dma_start3A_73 = arith.constant 0 : i32
    %dma_start3A_74 = arith.constant 0 : i32
    %dma_start3A_75 = tpu.memref_slice %arg5[%dma_start3A_73, %dma_start3A_74] : memref<4096x128xf32, #tpu.memory_space<hbm>> -> memref<4096x128xf32, #tpu.memory_space<hbm>>
    tpu.enqueue_indirect_dma source(%dma_start3A_75 : memref<4096x128xf32, #tpu.memory_space<hbm>>) target(%dma_start3A_69 : memref<128x128xf32, #tpu.memory_space<vmem>>) offsets(%dma_start3A_72 : memref<128xi32, #tpu.memory_space<vmem>>) semaphore(%arg11 : memref<!tpu.dma_semaphore, #tpu.memory_space<semaphore_mem>>)
    %dma_start3A_76 = arith.constant 2 : i32
    %dma_start3A_77 = arith.constant 6 : i32
    %dma_start3A_78 = arith.constant 0 : i32
    %dma_start3A_79 = arith.constant 0 : i32
    %dma_start3A_80 = tpu.memref_slice %arg10[%dma_start3A_77, %dma_start3A_78, %dma_start3A_79] : memref<7x128x128xf32, #tpu.memory_space<vmem>> -> memref<1x128x128xf32, #tpu.memory_space<vmem>>
    %dma_start3A_81 = tpu.memref_squeeze %dma_start3A_80 : memref<1x128x128xf32, #tpu.memory_space<vmem>> -> memref<128x128xf32, #tpu.memory_space<vmem>>
    %dma_start3A_82 = arith.constant 0 : i32
    %dma_start3A_83 = tpu.memref_slice %arg9[%dma_start3A_76, %dma_start3A_82] : memref<4x128xi32, #tpu.memory_space<vmem>> -> memref<1x128xi32, #tpu.memory_space<vmem>>
    %dma_start3A_84 = tpu.memref_squeeze %dma_start3A_83 : memref<1x128xi32, #tpu.memory_space<vmem>> -> memref<128xi32, #tpu.memory_space<vmem>>
    %dma_start3A_85 = arith.constant 0 : i32
    %dma_start3A_86 = arith.constant 0 : i32
    %dma_start3A_87 = tpu.memref_slice %arg5[%dma_start3A_85, %dma_start3A_86] : memref<4096x128xf32, #tpu.memory_space<hbm>> -> memref<4096x128xf32, #tpu.memory_space<hbm>>
    tpu.enqueue_indirect_dma source(%dma_start3A_87 : memref<4096x128xf32, #tpu.memory_space<hbm>>) target(%dma_start3A_81 : memref<128x128xf32, #tpu.memory_space<vmem>>) offsets(%dma_start3A_84 : memref<128xi32, #tpu.memory_space<vmem>>) semaphore(%arg11 : memref<!tpu.dma_semaphore, #tpu.memory_space<semaphore_mem>>)
    %dma_wait3A = arith.constant 0 : i32
    %dma_wait3A_88 = arith.constant 0 : i32
    %dma_wait3A_89 = arith.constant 0 : i32
    %dma_wait3A_90 = arith.constant 0 : i32
    %dma_wait3A_91 = tpu.memref_slice %arg10[%dma_wait3A_88, %dma_wait3A_89, %dma_wait3A_90] : memref<7x128x128xf32, #tpu.memory_space<vmem>> -> memref<1x128x128xf32, #tpu.memory_space<vmem>>
    %dma_wait3A_92 = tpu.memref_squeeze %dma_wait3A_91 : memref<1x128x128xf32, #tpu.memory_space<vmem>> -> memref<128x128xf32, #tpu.memory_space<vmem>>
    %dma_wait3A_93 = arith.constant 0 : i32
    %dma_wait3A_94 = tpu.memref_slice %arg8[%dma_wait3A, %dma_wait3A_93] : memref<4x128xi32, #tpu.memory_space<vmem>> -> memref<1x128xi32, #tpu.memory_space<vmem>>
    %dma_wait3A_95 = tpu.memref_squeeze %dma_wait3A_94 : memref<1x128xi32, #tpu.memory_space<vmem>> -> memref<128xi32, #tpu.memory_space<vmem>>
    %dma_wait3A_96 = arith.constant 0 : i32
    %dma_wait3A_97 = arith.constant 0 : i32
    %dma_wait3A_98 = tpu.memref_slice %arg4[%dma_wait3A_96, %dma_wait3A_97] : memref<8192x128xf32, #tpu.memory_space<hbm>> -> memref<8192x128xf32, #tpu.memory_space<hbm>>
    tpu.wait_indirect_dma semaphore(%arg11 : memref<!tpu.dma_semaphore, #tpu.memory_space<semaphore_mem>>) src(%dma_wait3A_98 : memref<8192x128xf32, #tpu.memory_space<hbm>>) dst(%dma_wait3A_92 : memref<128x128xf32, #tpu.memory_space<vmem>>)
    %add3A_99 = arith.constant 0 : i32
    %add3A_100 = arith.addi %mul3A_2, %add3A_99 : i32
    %dma_start3A_101 = arith.constant 0 : i32
    %dma_start3A_102 = arith.constant 0 : i32
    %dma_start3A_103 = arith.constant 0 : i32
    %dma_start3A_104 = tpu.memref_slice %arg10[%dma_start3A_101, %dma_start3A_102, %dma_start3A_103] : memref<7x128x128xf32, #tpu.memory_space<vmem>> -> memref<1x128x128xf32, #tpu.memory_space<vmem>>
    %dma_start3A_105 = tpu.memref_squeeze %dma_start3A_104 : memref<1x128x128xf32, #tpu.memory_space<vmem>> -> memref<128x128xf32, #tpu.memory_space<vmem>>
    %dma_start3A_106 = arith.constant 0 : i32
    %dma_start3A_107 = tpu.memref_slice %arg6[%add3A_100, %dma_start3A_106] : memref<16384x128xf32, #tpu.memory_space<hbm>> -> memref<128x128xf32, #tpu.memory_space<hbm>>
    %dma_start3A_108 = arith.constant 0 : i32
    %dma_start3A_109 = tpu.memref_slice %arg6[%add3A_100, %dma_start3A_108] : memref<16384x128xf32, #tpu.memory_space<hbm>> -> memref<128x128xf32, #tpu.memory_space<hbm>>
    %dma_start3A_110 = arith.constant 0 : i32
    %dma_start3A_111 = arith.constant 0 : i32
    %dma_start3A_112 = tpu.memref_slice %arg10[%dma_start3A_101, %dma_start3A_110, %dma_start3A_111] : memref<7x128x128xf32, #tpu.memory_space<vmem>> -> memref<1x128x128xf32, #tpu.memory_space<vmem>>
    %dma_start3A_113 = tpu.memref_squeeze %dma_start3A_112 : memref<1x128x128xf32, #tpu.memory_space<vmem>> -> memref<128x128xf32, #tpu.memory_space<vmem>>
    tpu.enqueue_dma source(%dma_start3A_113 : memref<128x128xf32, #tpu.memory_space<vmem>>) target(%dma_start3A_109 : memref<128x128xf32, #tpu.memory_space<hbm>>) target_semaphore(%arg12 : memref<!tpu.dma_semaphore, #tpu.memory_space<semaphore_mem>>)
    %dma_wait3A_114 = arith.constant 0 : i32
    %dma_wait3A_115 = arith.constant 0 : i32
    %dma_wait3A_116 = arith.constant 0 : i32
    %dma_wait3A_117 = tpu.memref_slice %arg10[%dma_wait3A_114, %dma_wait3A_115, %dma_wait3A_116] : memref<7x128x128xf32, #tpu.memory_space<vmem>> -> memref<1x128x128xf32, #tpu.memory_space<vmem>>
    %dma_wait3A_118 = tpu.memref_squeeze %dma_wait3A_117 : memref<1x128x128xf32, #tpu.memory_space<vmem>> -> memref<128x128xf32, #tpu.memory_space<vmem>>
    %dma_wait3A_119 = arith.constant 0 : i32
    %dma_wait3A_120 = tpu.memref_slice %arg6[%add3A_100, %dma_wait3A_119] : memref<16384x128xf32, #tpu.memory_space<hbm>> -> memref<128x128xf32, #tpu.memory_space<hbm>>
    %dma_wait3A_121 = arith.constant 0 : i32
    %dma_wait3A_122 = tpu.memref_slice %arg6[%add3A_100, %dma_wait3A_121] : memref<16384x128xf32, #tpu.memory_space<hbm>> -> memref<128x128xf32, #tpu.memory_space<hbm>>
    %dma_wait3A_123 = arith.constant 0 : i32
    %dma_wait3A_124 = arith.constant 0 : i32
    %dma_wait3A_125 = tpu.memref_slice %arg10[%dma_wait3A_114, %dma_wait3A_123, %dma_wait3A_124] : memref<7x128x128xf32, #tpu.memory_space<vmem>> -> memref<1x128x128xf32, #tpu.memory_space<vmem>>
    %dma_wait3A_126 = tpu.memref_squeeze %dma_wait3A_125 : memref<1x128x128xf32, #tpu.memory_space<vmem>> -> memref<128x128xf32, #tpu.memory_space<vmem>>
    tpu.wait_dma2 semaphore(%arg12 : memref<!tpu.dma_semaphore, #tpu.memory_space<semaphore_mem>>) src(%dma_wait3A_126 : memref<128x128xf32, #tpu.memory_space<vmem>>) dst(%dma_wait3A_122 : memref<128x128xf32, #tpu.memory_space<hbm>>)
    %dma_start3A_127 = arith.constant 3 : i32
    %dma_start3A_128 = arith.constant 0 : i32
    %dma_start3A_129 = arith.constant 0 : i32
    %dma_start3A_130 = arith.constant 0 : i32
    %dma_start3A_131 = tpu.memref_slice %arg10[%dma_start3A_128, %dma_start3A_129, %dma_start3A_130] : memref<7x128x128xf32, #tpu.memory_space<vmem>> -> memref<1x128x128xf32, #tpu.memory_space<vmem>>
    %dma_start3A_132 = tpu.memref_squeeze %dma_start3A_131 : memref<1x128x128xf32, #tpu.memory_space<vmem>> -> memref<128x128xf32, #tpu.memory_space<vmem>>
    %dma_start3A_133 = arith.constant 0 : i32
    %dma_start3A_134 = tpu.memref_slice %arg9[%dma_start3A_127, %dma_start3A_133] : memref<4x128xi32, #tpu.memory_space<vmem>> -> memref<1x128xi32, #tpu.memory_space<vmem>>
    %dma_start3A_135 = tpu.memref_squeeze %dma_start3A_134 : memref<1x128xi32, #tpu.memory_space<vmem>> -> memref<128xi32, #tpu.memory_space<vmem>>
    %dma_start3A_136 = arith.constant 0 : i32
    %dma_start3A_137 = arith.constant 0 : i32
    %dma_start3A_138 = tpu.memref_slice %arg5[%dma_start3A_136, %dma_start3A_137] : memref<4096x128xf32, #tpu.memory_space<hbm>> -> memref<4096x128xf32, #tpu.memory_space<hbm>>
    tpu.enqueue_indirect_dma source(%dma_start3A_138 : memref<4096x128xf32, #tpu.memory_space<hbm>>) target(%dma_start3A_132 : memref<128x128xf32, #tpu.memory_space<vmem>>) offsets(%dma_start3A_135 : memref<128xi32, #tpu.memory_space<vmem>>) semaphore(%arg11 : memref<!tpu.dma_semaphore, #tpu.memory_space<semaphore_mem>>)
    %dma_wait3A_139 = arith.constant 1 : i32
    %dma_wait3A_140 = arith.constant 1 : i32
    %dma_wait3A_141 = arith.constant 0 : i32
    %dma_wait3A_142 = arith.constant 0 : i32
    %dma_wait3A_143 = tpu.memref_slice %arg10[%dma_wait3A_140, %dma_wait3A_141, %dma_wait3A_142] : memref<7x128x128xf32, #tpu.memory_space<vmem>> -> memref<1x128x128xf32, #tpu.memory_space<vmem>>
    %dma_wait3A_144 = tpu.memref_squeeze %dma_wait3A_143 : memref<1x128x128xf32, #tpu.memory_space<vmem>> -> memref<128x128xf32, #tpu.memory_space<vmem>>
    %dma_wait3A_145 = arith.constant 0 : i32
    %dma_wait3A_146 = tpu.memref_slice %arg8[%dma_wait3A_139, %dma_wait3A_145] : memref<4x128xi32, #tpu.memory_space<vmem>> -> memref<1x128xi32, #tpu.memory_space<vmem>>
    %dma_wait3A_147 = tpu.memref_squeeze %dma_wait3A_146 : memref<1x128xi32, #tpu.memory_space<vmem>> -> memref<128xi32, #tpu.memory_space<vmem>>
    %dma_wait3A_148 = arith.constant 0 : i32
    %dma_wait3A_149 = arith.constant 0 : i32
    %dma_wait3A_150 = tpu.memref_slice %arg4[%dma_wait3A_148, %dma_wait3A_149] : memref<8192x128xf32, #tpu.memory_space<hbm>> -> memref<8192x128xf32, #tpu.memory_space<hbm>>
    tpu.wait_indirect_dma semaphore(%arg11 : memref<!tpu.dma_semaphore, #tpu.memory_space<semaphore_mem>>) src(%dma_wait3A_150 : memref<8192x128xf32, #tpu.memory_space<hbm>>) dst(%dma_wait3A_144 : memref<128x128xf32, #tpu.memory_space<vmem>>)
    %add3A_151 = arith.constant 128 : i32
    %add3A_152 = arith.addi %mul3A_2, %add3A_151 : i32
    %dma_start3A_153 = arith.constant 1 : i32
    %dma_start3A_154 = arith.constant 0 : i32
    %dma_start3A_155 = arith.constant 0 : i32
    %dma_start3A_156 = tpu.memref_slice %arg10[%dma_start3A_153, %dma_start3A_154, %dma_start3A_155] : memref<7x128x128xf32, #tpu.memory_space<vmem>> -> memref<1x128x128xf32, #tpu.memory_space<vmem>>
    %dma_start3A_157 = tpu.memref_squeeze %dma_start3A_156 : memref<1x128x128xf32, #tpu.memory_space<vmem>> -> memref<128x128xf32, #tpu.memory_space<vmem>>
    %dma_start3A_158 = arith.constant 0 : i32
    %dma_start3A_159 = tpu.memref_slice %arg6[%add3A_152, %dma_start3A_158] : memref<16384x128xf32, #tpu.memory_space<hbm>> -> memref<128x128xf32, #tpu.memory_space<hbm>>
    %dma_start3A_160 = arith.constant 0 : i32
    %dma_start3A_161 = tpu.memref_slice %arg6[%add3A_152, %dma_start3A_160] : memref<16384x128xf32, #tpu.memory_space<hbm>> -> memref<128x128xf32, #tpu.memory_space<hbm>>
    %dma_start3A_162 = arith.constant 0 : i32
    %dma_start3A_163 = arith.constant 0 : i32
    %dma_start3A_164 = tpu.memref_slice %arg10[%dma_start3A_153, %dma_start3A_162, %dma_start3A_163] : memref<7x128x128xf32, #tpu.memory_space<vmem>> -> memref<1x128x128xf32, #tpu.memory_space<vmem>>
    %dma_start3A_165 = tpu.memref_squeeze %dma_start3A_164 : memref<1x128x128xf32, #tpu.memory_space<vmem>> -> memref<128x128xf32, #tpu.memory_space<vmem>>
    tpu.enqueue_dma source(%dma_start3A_165 : memref<128x128xf32, #tpu.memory_space<vmem>>) target(%dma_start3A_161 : memref<128x128xf32, #tpu.memory_space<hbm>>) target_semaphore(%arg12 : memref<!tpu.dma_semaphore, #tpu.memory_space<semaphore_mem>>)
    %dma_wait3A_166 = arith.constant 2 : i32
    %dma_wait3A_167 = arith.constant 2 : i32
    %dma_wait3A_168 = arith.constant 0 : i32
    %dma_wait3A_169 = arith.constant 0 : i32
    %dma_wait3A_170 = tpu.memref_slice %arg10[%dma_wait3A_167, %dma_wait3A_168, %dma_wait3A_169] : memref<7x128x128xf32, #tpu.memory_space<vmem>> -> memref<1x128x128xf32, #tpu.memory_space<vmem>>
    %dma_wait3A_171 = tpu.memref_squeeze %dma_wait3A_170 : memref<1x128x128xf32, #tpu.memory_space<vmem>> -> memref<128x128xf32, #tpu.memory_space<vmem>>
    %dma_wait3A_172 = arith.constant 0 : i32
    %dma_wait3A_173 = tpu.memref_slice %arg8[%dma_wait3A_166, %dma_wait3A_172] : memref<4x128xi32, #tpu.memory_space<vmem>> -> memref<1x128xi32, #tpu.memory_space<vmem>>
    %dma_wait3A_174 = tpu.memref_squeeze %dma_wait3A_173 : memref<1x128xi32, #tpu.memory_space<vmem>> -> memref<128xi32, #tpu.memory_space<vmem>>
    %dma_wait3A_175 = arith.constant 0 : i32
    %dma_wait3A_176 = arith.constant 0 : i32
    %dma_wait3A_177 = tpu.memref_slice %arg4[%dma_wait3A_175, %dma_wait3A_176] : memref<8192x128xf32, #tpu.memory_space<hbm>> -> memref<8192x128xf32, #tpu.memory_space<hbm>>
    tpu.wait_indirect_dma semaphore(%arg11 : memref<!tpu.dma_semaphore, #tpu.memory_space<semaphore_mem>>) src(%dma_wait3A_177 : memref<8192x128xf32, #tpu.memory_space<hbm>>) dst(%dma_wait3A_171 : memref<128x128xf32, #tpu.memory_space<vmem>>)
    %add3A_178 = arith.constant 256 : i32
    %add3A_179 = arith.addi %mul3A_2, %add3A_178 : i32
    %dma_start3A_180 = arith.constant 2 : i32
    %dma_start3A_181 = arith.constant 0 : i32
    %dma_start3A_182 = arith.constant 0 : i32
    %dma_start3A_183 = tpu.memref_slice %arg10[%dma_start3A_180, %dma_start3A_181, %dma_start3A_182] : memref<7x128x128xf32, #tpu.memory_space<vmem>> -> memref<1x128x128xf32, #tpu.memory_space<vmem>>
    %dma_start3A_184 = tpu.memref_squeeze %dma_start3A_183 : memref<1x128x128xf32, #tpu.memory_space<vmem>> -> memref<128x128xf32, #tpu.memory_space<vmem>>
    %dma_start3A_185 = arith.constant 0 : i32
    %dma_start3A_186 = tpu.memref_slice %arg6[%add3A_179, %dma_start3A_185] : memref<16384x128xf32, #tpu.memory_space<hbm>> -> memref<128x128xf32, #tpu.memory_space<hbm>>
    %dma_start3A_187 = arith.constant 0 : i32
    %dma_start3A_188 = tpu.memref_slice %arg6[%add3A_179, %dma_start3A_187] : memref<16384x128xf32, #tpu.memory_space<hbm>> -> memref<128x128xf32, #tpu.memory_space<hbm>>
    %dma_start3A_189 = arith.constant 0 : i32
    %dma_start3A_190 = arith.constant 0 : i32
    %dma_start3A_191 = tpu.memref_slice %arg10[%dma_start3A_180, %dma_start3A_189, %dma_start3A_190] : memref<7x128x128xf32, #tpu.memory_space<vmem>> -> memref<1x128x128xf32, #tpu.memory_space<vmem>>
    %dma_start3A_192 = tpu.memref_squeeze %dma_start3A_191 : memref<1x128x128xf32, #tpu.memory_space<vmem>> -> memref<128x128xf32, #tpu.memory_space<vmem>>
    tpu.enqueue_dma source(%dma_start3A_192 : memref<128x128xf32, #tpu.memory_space<vmem>>) target(%dma_start3A_188 : memref<128x128xf32, #tpu.memory_space<hbm>>) target_semaphore(%arg12 : memref<!tpu.dma_semaphore, #tpu.memory_space<semaphore_mem>>)
    %dma_wait3A_193 = arith.constant 3 : i32
    %dma_wait3A_194 = arith.constant 3 : i32
    %dma_wait3A_195 = arith.constant 0 : i32
    %dma_wait3A_196 = arith.constant 0 : i32
    %dma_wait3A_197 = tpu.memref_slice %arg10[%dma_wait3A_194, %dma_wait3A_195, %dma_wait3A_196] : memref<7x128x128xf32, #tpu.memory_space<vmem>> -> memref<1x128x128xf32, #tpu.memory_space<vmem>>
    %dma_wait3A_198 = tpu.memref_squeeze %dma_wait3A_197 : memref<1x128x128xf32, #tpu.memory_space<vmem>> -> memref<128x128xf32, #tpu.memory_space<vmem>>
    %dma_wait3A_199 = arith.constant 0 : i32
    %dma_wait3A_200 = tpu.memref_slice %arg8[%dma_wait3A_193, %dma_wait3A_199] : memref<4x128xi32, #tpu.memory_space<vmem>> -> memref<1x128xi32, #tpu.memory_space<vmem>>
    %dma_wait3A_201 = tpu.memref_squeeze %dma_wait3A_200 : memref<1x128xi32, #tpu.memory_space<vmem>> -> memref<128xi32, #tpu.memory_space<vmem>>
    %dma_wait3A_202 = arith.constant 0 : i32
    %dma_wait3A_203 = arith.constant 0 : i32
    %dma_wait3A_204 = tpu.memref_slice %arg4[%dma_wait3A_202, %dma_wait3A_203] : memref<8192x128xf32, #tpu.memory_space<hbm>> -> memref<8192x128xf32, #tpu.memory_space<hbm>>
    tpu.wait_indirect_dma semaphore(%arg11 : memref<!tpu.dma_semaphore, #tpu.memory_space<semaphore_mem>>) src(%dma_wait3A_204 : memref<8192x128xf32, #tpu.memory_space<hbm>>) dst(%dma_wait3A_198 : memref<128x128xf32, #tpu.memory_space<vmem>>)
    %add3A_205 = arith.constant 384 : i32
    %add3A_206 = arith.addi %mul3A_2, %add3A_205 : i32
    %dma_start3A_207 = arith.constant 3 : i32
    %dma_start3A_208 = arith.constant 0 : i32
    %dma_start3A_209 = arith.constant 0 : i32
    %dma_start3A_210 = tpu.memref_slice %arg10[%dma_start3A_207, %dma_start3A_208, %dma_start3A_209] : memref<7x128x128xf32, #tpu.memory_space<vmem>> -> memref<1x128x128xf32, #tpu.memory_space<vmem>>
    %dma_start3A_211 = tpu.memref_squeeze %dma_start3A_210 : memref<1x128x128xf32, #tpu.memory_space<vmem>> -> memref<128x128xf32, #tpu.memory_space<vmem>>
    %dma_start3A_212 = arith.constant 0 : i32
    %dma_start3A_213 = tpu.memref_slice %arg6[%add3A_206, %dma_start3A_212] : memref<16384x128xf32, #tpu.memory_space<hbm>> -> memref<128x128xf32, #tpu.memory_space<hbm>>
    %dma_start3A_214 = arith.constant 0 : i32
    %dma_start3A_215 = tpu.memref_slice %arg6[%add3A_206, %dma_start3A_214] : memref<16384x128xf32, #tpu.memory_space<hbm>> -> memref<128x128xf32, #tpu.memory_space<hbm>>
    %dma_start3A_216 = arith.constant 0 : i32
    %dma_start3A_217 = arith.constant 0 : i32
    %dma_start3A_218 = tpu.memref_slice %arg10[%dma_start3A_207, %dma_start3A_216, %dma_start3A_217] : memref<7x128x128xf32, #tpu.memory_space<vmem>> -> memref<1x128x128xf32, #tpu.memory_space<vmem>>
    %dma_start3A_219 = tpu.memref_squeeze %dma_start3A_218 : memref<1x128x128xf32, #tpu.memory_space<vmem>> -> memref<128x128xf32, #tpu.memory_space<vmem>>
    tpu.enqueue_dma source(%dma_start3A_219 : memref<128x128xf32, #tpu.memory_space<vmem>>) target(%dma_start3A_215 : memref<128x128xf32, #tpu.memory_space<hbm>>) target_semaphore(%arg12 : memref<!tpu.dma_semaphore, #tpu.memory_space<semaphore_mem>>)
    %dma_wait3A_220 = arith.constant 0 : i32
    %dma_wait3A_221 = arith.constant 4 : i32
    %dma_wait3A_222 = arith.constant 0 : i32
    %dma_wait3A_223 = arith.constant 0 : i32
    %dma_wait3A_224 = tpu.memref_slice %arg10[%dma_wait3A_221, %dma_wait3A_222, %dma_wait3A_223] : memref<7x128x128xf32, #tpu.memory_space<vmem>> -> memref<1x128x128xf32, #tpu.memory_space<vmem>>
    %dma_wait3A_225 = tpu.memref_squeeze %dma_wait3A_224 : memref<1x128x128xf32, #tpu.memory_space<vmem>> -> memref<128x128xf32, #tpu.memory_space<vmem>>
    %dma_wait3A_226 = arith.constant 0 : i32
    %dma_wait3A_227 = tpu.memref_slice %arg9[%dma_wait3A_220, %dma_wait3A_226] : memref<4x128xi32, #tpu.memory_space<vmem>> -> memref<1x128xi32, #tpu.memory_space<vmem>>
    %dma_wait3A_228 = tpu.memref_squeeze %dma_wait3A_227 : memref<1x128xi32, #tpu.memory_space<vmem>> -> memref<128xi32, #tpu.memory_space<vmem>>
    %dma_wait3A_229 = arith.constant 0 : i32
    %dma_wait3A_230 = arith.constant 0 : i32
    %dma_wait3A_231 = tpu.memref_slice %arg5[%dma_wait3A_229, %dma_wait3A_230] : memref<4096x128xf32, #tpu.memory_space<hbm>> -> memref<4096x128xf32, #tpu.memory_space<hbm>>
    tpu.wait_indirect_dma semaphore(%arg11 : memref<!tpu.dma_semaphore, #tpu.memory_space<semaphore_mem>>) src(%dma_wait3A_231 : memref<4096x128xf32, #tpu.memory_space<hbm>>) dst(%dma_wait3A_225 : memref<128x128xf32, #tpu.memory_space<vmem>>)
    %add3A_232 = arith.constant 0 : i32
    %add3A_233 = arith.addi %mul3A_2, %add3A_232 : i32
    %dma_start3A_234 = arith.constant 4 : i32
    %dma_start3A_235 = arith.constant 0 : i32
    %dma_start3A_236 = arith.constant 0 : i32
    %dma_start3A_237 = tpu.memref_slice %arg10[%dma_start3A_234, %dma_start3A_235, %dma_start3A_236] : memref<7x128x128xf32, #tpu.memory_space<vmem>> -> memref<1x128x128xf32, #tpu.memory_space<vmem>>
    %dma_start3A_238 = tpu.memref_squeeze %dma_start3A_237 : memref<1x128x128xf32, #tpu.memory_space<vmem>> -> memref<128x128xf32, #tpu.memory_space<vmem>>
    %dma_start3A_239 = arith.constant 0 : i32
    %dma_start3A_240 = tpu.memref_slice %arg7[%add3A_233, %dma_start3A_239] : memref<16384x128xf32, #tpu.memory_space<hbm>> -> memref<128x128xf32, #tpu.memory_space<hbm>>
    %dma_start3A_241 = arith.constant 0 : i32
    %dma_start3A_242 = tpu.memref_slice %arg7[%add3A_233, %dma_start3A_241] : memref<16384x128xf32, #tpu.memory_space<hbm>> -> memref<128x128xf32, #tpu.memory_space<hbm>>
    %dma_start3A_243 = arith.constant 0 : i32
    %dma_start3A_244 = arith.constant 0 : i32
    %dma_start3A_245 = tpu.memref_slice %arg10[%dma_start3A_234, %dma_start3A_243, %dma_start3A_244] : memref<7x128x128xf32, #tpu.memory_space<vmem>> -> memref<1x128x128xf32, #tpu.memory_space<vmem>>
    %dma_start3A_246 = tpu.memref_squeeze %dma_start3A_245 : memref<1x128x128xf32, #tpu.memory_space<vmem>> -> memref<128x128xf32, #tpu.memory_space<vmem>>
    tpu.enqueue_dma source(%dma_start3A_246 : memref<128x128xf32, #tpu.memory_space<vmem>>) target(%dma_start3A_242 : memref<128x128xf32, #tpu.memory_space<hbm>>) target_semaphore(%arg12 : memref<!tpu.dma_semaphore, #tpu.memory_space<semaphore_mem>>)
    %dma_wait3A_247 = arith.constant 1 : i32
    %dma_wait3A_248 = arith.constant 5 : i32
    %dma_wait3A_249 = arith.constant 0 : i32
    %dma_wait3A_250 = arith.constant 0 : i32
    %dma_wait3A_251 = tpu.memref_slice %arg10[%dma_wait3A_248, %dma_wait3A_249, %dma_wait3A_250] : memref<7x128x128xf32, #tpu.memory_space<vmem>> -> memref<1x128x128xf32, #tpu.memory_space<vmem>>
    %dma_wait3A_252 = tpu.memref_squeeze %dma_wait3A_251 : memref<1x128x128xf32, #tpu.memory_space<vmem>> -> memref<128x128xf32, #tpu.memory_space<vmem>>
    %dma_wait3A_253 = arith.constant 0 : i32
    %dma_wait3A_254 = tpu.memref_slice %arg9[%dma_wait3A_247, %dma_wait3A_253] : memref<4x128xi32, #tpu.memory_space<vmem>> -> memref<1x128xi32, #tpu.memory_space<vmem>>
    %dma_wait3A_255 = tpu.memref_squeeze %dma_wait3A_254 : memref<1x128xi32, #tpu.memory_space<vmem>> -> memref<128xi32, #tpu.memory_space<vmem>>
    %dma_wait3A_256 = arith.constant 0 : i32
    %dma_wait3A_257 = arith.constant 0 : i32
    %dma_wait3A_258 = tpu.memref_slice %arg5[%dma_wait3A_256, %dma_wait3A_257] : memref<4096x128xf32, #tpu.memory_space<hbm>> -> memref<4096x128xf32, #tpu.memory_space<hbm>>
    tpu.wait_indirect_dma semaphore(%arg11 : memref<!tpu.dma_semaphore, #tpu.memory_space<semaphore_mem>>) src(%dma_wait3A_258 : memref<4096x128xf32, #tpu.memory_space<hbm>>) dst(%dma_wait3A_252 : memref<128x128xf32, #tpu.memory_space<vmem>>)
    %add3A_259 = arith.constant 128 : i32
    %add3A_260 = arith.addi %mul3A_2, %add3A_259 : i32
    %dma_start3A_261 = arith.constant 5 : i32
    %dma_start3A_262 = arith.constant 0 : i32
    %dma_start3A_263 = arith.constant 0 : i32
    %dma_start3A_264 = tpu.memref_slice %arg10[%dma_start3A_261, %dma_start3A_262, %dma_start3A_263] : memref<7x128x128xf32, #tpu.memory_space<vmem>> -> memref<1x128x128xf32, #tpu.memory_space<vmem>>
    %dma_start3A_265 = tpu.memref_squeeze %dma_start3A_264 : memref<1x128x128xf32, #tpu.memory_space<vmem>> -> memref<128x128xf32, #tpu.memory_space<vmem>>
    %dma_start3A_266 = arith.constant 0 : i32
    %dma_start3A_267 = tpu.memref_slice %arg7[%add3A_260, %dma_start3A_266] : memref<16384x128xf32, #tpu.memory_space<hbm>> -> memref<128x128xf32, #tpu.memory_space<hbm>>
    %dma_start3A_268 = arith.constant 0 : i32
    %dma_start3A_269 = tpu.memref_slice %arg7[%add3A_260, %dma_start3A_268] : memref<16384x128xf32, #tpu.memory_space<hbm>> -> memref<128x128xf32, #tpu.memory_space<hbm>>
    %dma_start3A_270 = arith.constant 0 : i32
    %dma_start3A_271 = arith.constant 0 : i32
    %dma_start3A_272 = tpu.memref_slice %arg10[%dma_start3A_261, %dma_start3A_270, %dma_start3A_271] : memref<7x128x128xf32, #tpu.memory_space<vmem>> -> memref<1x128x128xf32, #tpu.memory_space<vmem>>
    %dma_start3A_273 = tpu.memref_squeeze %dma_start3A_272 : memref<1x128x128xf32, #tpu.memory_space<vmem>> -> memref<128x128xf32, #tpu.memory_space<vmem>>
    tpu.enqueue_dma source(%dma_start3A_273 : memref<128x128xf32, #tpu.memory_space<vmem>>) target(%dma_start3A_269 : memref<128x128xf32, #tpu.memory_space<hbm>>) target_semaphore(%arg12 : memref<!tpu.dma_semaphore, #tpu.memory_space<semaphore_mem>>)
    %dma_wait3A_274 = arith.constant 2 : i32
    %dma_wait3A_275 = arith.constant 6 : i32
    %dma_wait3A_276 = arith.constant 0 : i32
    %dma_wait3A_277 = arith.constant 0 : i32
    %dma_wait3A_278 = tpu.memref_slice %arg10[%dma_wait3A_275, %dma_wait3A_276, %dma_wait3A_277] : memref<7x128x128xf32, #tpu.memory_space<vmem>> -> memref<1x128x128xf32, #tpu.memory_space<vmem>>
    %dma_wait3A_279 = tpu.memref_squeeze %dma_wait3A_278 : memref<1x128x128xf32, #tpu.memory_space<vmem>> -> memref<128x128xf32, #tpu.memory_space<vmem>>
    %dma_wait3A_280 = arith.constant 0 : i32
    %dma_wait3A_281 = tpu.memref_slice %arg9[%dma_wait3A_274, %dma_wait3A_280] : memref<4x128xi32, #tpu.memory_space<vmem>> -> memref<1x128xi32, #tpu.memory_space<vmem>>
    %dma_wait3A_282 = tpu.memref_squeeze %dma_wait3A_281 : memref<1x128xi32, #tpu.memory_space<vmem>> -> memref<128xi32, #tpu.memory_space<vmem>>
    %dma_wait3A_283 = arith.constant 0 : i32
    %dma_wait3A_284 = arith.constant 0 : i32
    %dma_wait3A_285 = tpu.memref_slice %arg5[%dma_wait3A_283, %dma_wait3A_284] : memref<4096x128xf32, #tpu.memory_space<hbm>> -> memref<4096x128xf32, #tpu.memory_space<hbm>>
    tpu.wait_indirect_dma semaphore(%arg11 : memref<!tpu.dma_semaphore, #tpu.memory_space<semaphore_mem>>) src(%dma_wait3A_285 : memref<4096x128xf32, #tpu.memory_space<hbm>>) dst(%dma_wait3A_279 : memref<128x128xf32, #tpu.memory_space<vmem>>)
    %add3A_286 = arith.constant 256 : i32
    %add3A_287 = arith.addi %mul3A_2, %add3A_286 : i32
    %dma_start3A_288 = arith.constant 6 : i32
    %dma_start3A_289 = arith.constant 0 : i32
    %dma_start3A_290 = arith.constant 0 : i32
    %dma_start3A_291 = tpu.memref_slice %arg10[%dma_start3A_288, %dma_start3A_289, %dma_start3A_290] : memref<7x128x128xf32, #tpu.memory_space<vmem>> -> memref<1x128x128xf32, #tpu.memory_space<vmem>>
    %dma_start3A_292 = tpu.memref_squeeze %dma_start3A_291 : memref<1x128x128xf32, #tpu.memory_space<vmem>> -> memref<128x128xf32, #tpu.memory_space<vmem>>
    %dma_start3A_293 = arith.constant 0 : i32
    %dma_start3A_294 = tpu.memref_slice %arg7[%add3A_287, %dma_start3A_293] : memref<16384x128xf32, #tpu.memory_space<hbm>> -> memref<128x128xf32, #tpu.memory_space<hbm>>
    %dma_start3A_295 = arith.constant 0 : i32
    %dma_start3A_296 = tpu.memref_slice %arg7[%add3A_287, %dma_start3A_295] : memref<16384x128xf32, #tpu.memory_space<hbm>> -> memref<128x128xf32, #tpu.memory_space<hbm>>
    %dma_start3A_297 = arith.constant 0 : i32
    %dma_start3A_298 = arith.constant 0 : i32
    %dma_start3A_299 = tpu.memref_slice %arg10[%dma_start3A_288, %dma_start3A_297, %dma_start3A_298] : memref<7x128x128xf32, #tpu.memory_space<vmem>> -> memref<1x128x128xf32, #tpu.memory_space<vmem>>
    %dma_start3A_300 = tpu.memref_squeeze %dma_start3A_299 : memref<1x128x128xf32, #tpu.memory_space<vmem>> -> memref<128x128xf32, #tpu.memory_space<vmem>>
    tpu.enqueue_dma source(%dma_start3A_300 : memref<128x128xf32, #tpu.memory_space<vmem>>) target(%dma_start3A_296 : memref<128x128xf32, #tpu.memory_space<hbm>>) target_semaphore(%arg12 : memref<!tpu.dma_semaphore, #tpu.memory_space<semaphore_mem>>)
    %dma_wait3A_301 = arith.constant 3 : i32
    %dma_wait3A_302 = arith.constant 0 : i32
    %dma_wait3A_303 = arith.constant 0 : i32
    %dma_wait3A_304 = arith.constant 0 : i32
    %dma_wait3A_305 = tpu.memref_slice %arg10[%dma_wait3A_302, %dma_wait3A_303, %dma_wait3A_304] : memref<7x128x128xf32, #tpu.memory_space<vmem>> -> memref<1x128x128xf32, #tpu.memory_space<vmem>>
    %dma_wait3A_306 = tpu.memref_squeeze %dma_wait3A_305 : memref<1x128x128xf32, #tpu.memory_space<vmem>> -> memref<128x128xf32, #tpu.memory_space<vmem>>
    %dma_wait3A_307 = arith.constant 0 : i32
    %dma_wait3A_308 = tpu.memref_slice %arg9[%dma_wait3A_301, %dma_wait3A_307] : memref<4x128xi32, #tpu.memory_space<vmem>> -> memref<1x128xi32, #tpu.memory_space<vmem>>
    %dma_wait3A_309 = tpu.memref_squeeze %dma_wait3A_308 : memref<1x128xi32, #tpu.memory_space<vmem>> -> memref<128xi32, #tpu.memory_space<vmem>>
    %dma_wait3A_310 = arith.constant 0 : i32
    %dma_wait3A_311 = arith.constant 0 : i32
    %dma_wait3A_312 = tpu.memref_slice %arg5[%dma_wait3A_310, %dma_wait3A_311] : memref<4096x128xf32, #tpu.memory_space<hbm>> -> memref<4096x128xf32, #tpu.memory_space<hbm>>
    tpu.wait_indirect_dma semaphore(%arg11 : memref<!tpu.dma_semaphore, #tpu.memory_space<semaphore_mem>>) src(%dma_wait3A_312 : memref<4096x128xf32, #tpu.memory_space<hbm>>) dst(%dma_wait3A_306 : memref<128x128xf32, #tpu.memory_space<vmem>>)
    %add3A_313 = arith.constant 384 : i32
    %add3A_314 = arith.addi %mul3A_2, %add3A_313 : i32
    %dma_start3A_315 = arith.constant 0 : i32
    %dma_start3A_316 = arith.constant 0 : i32
    %dma_start3A_317 = arith.constant 0 : i32
    %dma_start3A_318 = tpu.memref_slice %arg10[%dma_start3A_315, %dma_start3A_316, %dma_start3A_317] : memref<7x128x128xf32, #tpu.memory_space<vmem>> -> memref<1x128x128xf32, #tpu.memory_space<vmem>>
    %dma_start3A_319 = tpu.memref_squeeze %dma_start3A_318 : memref<1x128x128xf32, #tpu.memory_space<vmem>> -> memref<128x128xf32, #tpu.memory_space<vmem>>
    %dma_start3A_320 = arith.constant 0 : i32
    %dma_start3A_321 = tpu.memref_slice %arg7[%add3A_314, %dma_start3A_320] : memref<16384x128xf32, #tpu.memory_space<hbm>> -> memref<128x128xf32, #tpu.memory_space<hbm>>
    %dma_start3A_322 = arith.constant 0 : i32
    %dma_start3A_323 = tpu.memref_slice %arg7[%add3A_314, %dma_start3A_322] : memref<16384x128xf32, #tpu.memory_space<hbm>> -> memref<128x128xf32, #tpu.memory_space<hbm>>
    %dma_start3A_324 = arith.constant 0 : i32
    %dma_start3A_325 = arith.constant 0 : i32
    %dma_start3A_326 = tpu.memref_slice %arg10[%dma_start3A_315, %dma_start3A_324, %dma_start3A_325] : memref<7x128x128xf32, #tpu.memory_space<vmem>> -> memref<1x128x128xf32, #tpu.memory_space<vmem>>
    %dma_start3A_327 = tpu.memref_squeeze %dma_start3A_326 : memref<1x128x128xf32, #tpu.memory_space<vmem>> -> memref<128x128xf32, #tpu.memory_space<vmem>>
    tpu.enqueue_dma source(%dma_start3A_327 : memref<128x128xf32, #tpu.memory_space<vmem>>) target(%dma_start3A_323 : memref<128x128xf32, #tpu.memory_space<hbm>>) target_semaphore(%arg12 : memref<!tpu.dma_semaphore, #tpu.memory_space<semaphore_mem>>)
    %dma_wait3A_328 = arith.constant 1 : i32
    %dma_wait3A_329 = arith.constant 0 : i32
    %dma_wait3A_330 = arith.constant 0 : i32
    %dma_wait3A_331 = tpu.memref_slice %arg10[%dma_wait3A_328, %dma_wait3A_329, %dma_wait3A_330] : memref<7x128x128xf32, #tpu.memory_space<vmem>> -> memref<1x128x128xf32, #tpu.memory_space<vmem>>
    %dma_wait3A_332 = tpu.memref_squeeze %dma_wait3A_331 : memref<1x128x128xf32, #tpu.memory_space<vmem>> -> memref<128x128xf32, #tpu.memory_space<vmem>>
    %dma_wait3A_333 = arith.constant 0 : i32
    %dma_wait3A_334 = tpu.memref_slice %arg6[%add3A_152, %dma_wait3A_333] : memref<16384x128xf32, #tpu.memory_space<hbm>> -> memref<128x128xf32, #tpu.memory_space<hbm>>
    %dma_wait3A_335 = arith.constant 0 : i32
    %dma_wait3A_336 = tpu.memref_slice %arg6[%add3A_152, %dma_wait3A_335] : memref<16384x128xf32, #tpu.memory_space<hbm>> -> memref<128x128xf32, #tpu.memory_space<hbm>>
    %dma_wait3A_337 = arith.constant 0 : i32
    %dma_wait3A_338 = arith.constant 0 : i32
    %dma_wait3A_339 = tpu.memref_slice %arg10[%dma_wait3A_328, %dma_wait3A_337, %dma_wait3A_338] : memref<7x128x128xf32, #tpu.memory_space<vmem>> -> memref<1x128x128xf32, #tpu.memory_space<vmem>>
    %dma_wait3A_340 = tpu.memref_squeeze %dma_wait3A_339 : memref<1x128x128xf32, #tpu.memory_space<vmem>> -> memref<128x128xf32, #tpu.memory_space<vmem>>
    tpu.wait_dma2 semaphore(%arg12 : memref<!tpu.dma_semaphore, #tpu.memory_space<semaphore_mem>>) src(%dma_wait3A_340 : memref<128x128xf32, #tpu.memory_space<vmem>>) dst(%dma_wait3A_336 : memref<128x128xf32, #tpu.memory_space<hbm>>)
    %dma_wait3A_341 = arith.constant 2 : i32
    %dma_wait3A_342 = arith.constant 0 : i32
    %dma_wait3A_343 = arith.constant 0 : i32
    %dma_wait3A_344 = tpu.memref_slice %arg10[%dma_wait3A_341, %dma_wait3A_342, %dma_wait3A_343] : memref<7x128x128xf32, #tpu.memory_space<vmem>> -> memref<1x128x128xf32, #tpu.memory_space<vmem>>
    %dma_wait3A_345 = tpu.memref_squeeze %dma_wait3A_344 : memref<1x128x128xf32, #tpu.memory_space<vmem>> -> memref<128x128xf32, #tpu.memory_space<vmem>>
    %dma_wait3A_346 = arith.constant 0 : i32
    %dma_wait3A_347 = tpu.memref_slice %arg6[%add3A_179, %dma_wait3A_346] : memref<16384x128xf32, #tpu.memory_space<hbm>> -> memref<128x128xf32, #tpu.memory_space<hbm>>
    %dma_wait3A_348 = arith.constant 0 : i32
    %dma_wait3A_349 = tpu.memref_slice %arg6[%add3A_179, %dma_wait3A_348] : memref<16384x128xf32, #tpu.memory_space<hbm>> -> memref<128x128xf32, #tpu.memory_space<hbm>>
    %dma_wait3A_350 = arith.constant 0 : i32
    %dma_wait3A_351 = arith.constant 0 : i32
    %dma_wait3A_352 = tpu.memref_slice %arg10[%dma_wait3A_341, %dma_wait3A_350, %dma_wait3A_351] : memref<7x128x128xf32, #tpu.memory_space<vmem>> -> memref<1x128x128xf32, #tpu.memory_space<vmem>>
    %dma_wait3A_353 = tpu.memref_squeeze %dma_wait3A_352 : memref<1x128x128xf32, #tpu.memory_space<vmem>> -> memref<128x128xf32, #tpu.memory_space<vmem>>
    tpu.wait_dma2 semaphore(%arg12 : memref<!tpu.dma_semaphore, #tpu.memory_space<semaphore_mem>>) src(%dma_wait3A_353 : memref<128x128xf32, #tpu.memory_space<vmem>>) dst(%dma_wait3A_349 : memref<128x128xf32, #tpu.memory_space<hbm>>)
    %dma_wait3A_354 = arith.constant 3 : i32
    %dma_wait3A_355 = arith.constant 0 : i32
    %dma_wait3A_356 = arith.constant 0 : i32
    %dma_wait3A_357 = tpu.memref_slice %arg10[%dma_wait3A_354, %dma_wait3A_355, %dma_wait3A_356] : memref<7x128x128xf32, #tpu.memory_space<vmem>> -> memref<1x128x128xf32, #tpu.memory_space<vmem>>
    %dma_wait3A_358 = tpu.memref_squeeze %dma_wait3A_357 : memref<1x128x128xf32, #tpu.memory_space<vmem>> -> memref<128x128xf32, #tpu.memory_space<vmem>>
    %dma_wait3A_359 = arith.constant 0 : i32
    %dma_wait3A_360 = tpu.memref_slice %arg6[%add3A_206, %dma_wait3A_359] : memref<16384x128xf32, #tpu.memory_space<hbm>> -> memref<128x128xf32, #tpu.memory_space<hbm>>
    %dma_wait3A_361 = arith.constant 0 : i32
    %dma_wait3A_362 = tpu.memref_slice %arg6[%add3A_206, %dma_wait3A_361] : memref<16384x128xf32, #tpu.memory_space<hbm>> -> memref<128x128xf32, #tpu.memory_space<hbm>>
    %dma_wait3A_363 = arith.constant 0 : i32
    %dma_wait3A_364 = arith.constant 0 : i32
    %dma_wait3A_365 = tpu.memref_slice %arg10[%dma_wait3A_354, %dma_wait3A_363, %dma_wait3A_364] : memref<7x128x128xf32, #tpu.memory_space<vmem>> -> memref<1x128x128xf32, #tpu.memory_space<vmem>>
    %dma_wait3A_366 = tpu.memref_squeeze %dma_wait3A_365 : memref<1x128x128xf32, #tpu.memory_space<vmem>> -> memref<128x128xf32, #tpu.memory_space<vmem>>
    tpu.wait_dma2 semaphore(%arg12 : memref<!tpu.dma_semaphore, #tpu.memory_space<semaphore_mem>>) src(%dma_wait3A_366 : memref<128x128xf32, #tpu.memory_space<vmem>>) dst(%dma_wait3A_362 : memref<128x128xf32, #tpu.memory_space<hbm>>)
    %dma_wait3A_367 = arith.constant 4 : i32
    %dma_wait3A_368 = arith.constant 0 : i32
    %dma_wait3A_369 = arith.constant 0 : i32
    %dma_wait3A_370 = tpu.memref_slice %arg10[%dma_wait3A_367, %dma_wait3A_368, %dma_wait3A_369] : memref<7x128x128xf32, #tpu.memory_space<vmem>> -> memref<1x128x128xf32, #tpu.memory_space<vmem>>
    %dma_wait3A_371 = tpu.memref_squeeze %dma_wait3A_370 : memref<1x128x128xf32, #tpu.memory_space<vmem>> -> memref<128x128xf32, #tpu.memory_space<vmem>>
    %dma_wait3A_372 = arith.constant 0 : i32
    %dma_wait3A_373 = tpu.memref_slice %arg7[%add3A_233, %dma_wait3A_372] : memref<16384x128xf32, #tpu.memory_space<hbm>> -> memref<128x128xf32, #tpu.memory_space<hbm>>
    %dma_wait3A_374 = arith.constant 0 : i32
    %dma_wait3A_375 = tpu.memref_slice %arg7[%add3A_233, %dma_wait3A_374] : memref<16384x128xf32, #tpu.memory_space<hbm>> -> memref<128x128xf32, #tpu.memory_space<hbm>>
    %dma_wait3A_376 = arith.constant 0 : i32
    %dma_wait3A_377 = arith.constant 0 : i32
    %dma_wait3A_378 = tpu.memref_slice %arg10[%dma_wait3A_367, %dma_wait3A_376, %dma_wait3A_377] : memref<7x128x128xf32, #tpu.memory_space<vmem>> -> memref<1x128x128xf32, #tpu.memory_space<vmem>>
    %dma_wait3A_379 = tpu.memref_squeeze %dma_wait3A_378 : memref<1x128x128xf32, #tpu.memory_space<vmem>> -> memref<128x128xf32, #tpu.memory_space<vmem>>
    tpu.wait_dma2 semaphore(%arg12 : memref<!tpu.dma_semaphore, #tpu.memory_space<semaphore_mem>>) src(%dma_wait3A_379 : memref<128x128xf32, #tpu.memory_space<vmem>>) dst(%dma_wait3A_375 : memref<128x128xf32, #tpu.memory_space<hbm>>)
    %dma_wait3A_380 = arith.constant 5 : i32
    %dma_wait3A_381 = arith.constant 0 : i32
    %dma_wait3A_382 = arith.constant 0 : i32
    %dma_wait3A_383 = tpu.memref_slice %arg10[%dma_wait3A_380, %dma_wait3A_381, %dma_wait3A_382] : memref<7x128x128xf32, #tpu.memory_space<vmem>> -> memref<1x128x128xf32, #tpu.memory_space<vmem>>
    %dma_wait3A_384 = tpu.memref_squeeze %dma_wait3A_383 : memref<1x128x128xf32, #tpu.memory_space<vmem>> -> memref<128x128xf32, #tpu.memory_space<vmem>>
    %dma_wait3A_385 = arith.constant 0 : i32
    %dma_wait3A_386 = tpu.memref_slice %arg7[%add3A_260, %dma_wait3A_385] : memref<16384x128xf32, #tpu.memory_space<hbm>> -> memref<128x128xf32, #tpu.memory_space<hbm>>
    %dma_wait3A_387 = arith.constant 0 : i32
    %dma_wait3A_388 = tpu.memref_slice %arg7[%add3A_260, %dma_wait3A_387] : memref<16384x128xf32, #tpu.memory_space<hbm>> -> memref<128x128xf32, #tpu.memory_space<hbm>>
    %dma_wait3A_389 = arith.constant 0 : i32
    %dma_wait3A_390 = arith.constant 0 : i32
    %dma_wait3A_391 = tpu.memref_slice %arg10[%dma_wait3A_380, %dma_wait3A_389, %dma_wait3A_390] : memref<7x128x128xf32, #tpu.memory_space<vmem>> -> memref<1x128x128xf32, #tpu.memory_space<vmem>>
    %dma_wait3A_392 = tpu.memref_squeeze %dma_wait3A_391 : memref<1x128x128xf32, #tpu.memory_space<vmem>> -> memref<128x128xf32, #tpu.memory_space<vmem>>
    tpu.wait_dma2 semaphore(%arg12 : memref<!tpu.dma_semaphore, #tpu.memory_space<semaphore_mem>>) src(%dma_wait3A_392 : memref<128x128xf32, #tpu.memory_space<vmem>>) dst(%dma_wait3A_388 : memref<128x128xf32, #tpu.memory_space<hbm>>)
    %dma_wait3A_393 = arith.constant 6 : i32
    %dma_wait3A_394 = arith.constant 0 : i32
    %dma_wait3A_395 = arith.constant 0 : i32
    %dma_wait3A_396 = tpu.memref_slice %arg10[%dma_wait3A_393, %dma_wait3A_394, %dma_wait3A_395] : memref<7x128x128xf32, #tpu.memory_space<vmem>> -> memref<1x128x128xf32, #tpu.memory_space<vmem>>
    %dma_wait3A_397 = tpu.memref_squeeze %dma_wait3A_396 : memref<1x128x128xf32, #tpu.memory_space<vmem>> -> memref<128x128xf32, #tpu.memory_space<vmem>>
    %dma_wait3A_398 = arith.constant 0 : i32
    %dma_wait3A_399 = tpu.memref_slice %arg7[%add3A_287, %dma_wait3A_398] : memref<16384x128xf32, #tpu.memory_space<hbm>> -> memref<128x128xf32, #tpu.memory_space<hbm>>
    %dma_wait3A_400 = arith.constant 0 : i32
    %dma_wait3A_401 = tpu.memref_slice %arg7[%add3A_287, %dma_wait3A_400] : memref<16384x128xf32, #tpu.memory_space<hbm>> -> memref<128x128xf32, #tpu.memory_space<hbm>>
    %dma_wait3A_402 = arith.constant 0 : i32
    %dma_wait3A_403 = arith.constant 0 : i32
    %dma_wait3A_404 = tpu.memref_slice %arg10[%dma_wait3A_393, %dma_wait3A_402, %dma_wait3A_403] : memref<7x128x128xf32, #tpu.memory_space<vmem>> -> memref<1x128x128xf32, #tpu.memory_space<vmem>>
    %dma_wait3A_405 = tpu.memref_squeeze %dma_wait3A_404 : memref<1x128x128xf32, #tpu.memory_space<vmem>> -> memref<128x128xf32, #tpu.memory_space<vmem>>
    tpu.wait_dma2 semaphore(%arg12 : memref<!tpu.dma_semaphore, #tpu.memory_space<semaphore_mem>>) src(%dma_wait3A_405 : memref<128x128xf32, #tpu.memory_space<vmem>>) dst(%dma_wait3A_401 : memref<128x128xf32, #tpu.memory_space<hbm>>)
    %dma_wait3A_406 = arith.constant 0 : i32
    %dma_wait3A_407 = arith.constant 0 : i32
    %dma_wait3A_408 = arith.constant 0 : i32
    %dma_wait3A_409 = tpu.memref_slice %arg10[%dma_wait3A_406, %dma_wait3A_407, %dma_wait3A_408] : memref<7x128x128xf32, #tpu.memory_space<vmem>> -> memref<1x128x128xf32, #tpu.memory_space<vmem>>
    %dma_wait3A_410 = tpu.memref_squeeze %dma_wait3A_409 : memref<1x128x128xf32, #tpu.memory_space<vmem>> -> memref<128x128xf32, #tpu.memory_space<vmem>>
    %dma_wait3A_411 = arith.constant 0 : i32
    %dma_wait3A_412 = tpu.memref_slice %arg7[%add3A_314, %dma_wait3A_411] : memref<16384x128xf32, #tpu.memory_space<hbm>> -> memref<128x128xf32, #tpu.memory_space<hbm>>
    %dma_wait3A_413 = arith.constant 0 : i32
    %dma_wait3A_414 = tpu.memref_slice %arg7[%add3A_314, %dma_wait3A_413] : memref<16384x128xf32, #tpu.memory_space<hbm>> -> memref<128x128xf32, #tpu.memory_space<hbm>>
    %dma_wait3A_415 = arith.constant 0 : i32
    %dma_wait3A_416 = arith.constant 0 : i32
    %dma_wait3A_417 = tpu.memref_slice %arg10[%dma_wait3A_406, %dma_wait3A_415, %dma_wait3A_416] : memref<7x128x128xf32, #tpu.memory_space<vmem>> -> memref<1x128x128xf32, #tpu.memory_space<vmem>>
    %dma_wait3A_418 = tpu.memref_squeeze %dma_wait3A_417 : memref<1x128x128xf32, #tpu.memory_space<vmem>> -> memref<128x128xf32, #tpu.memory_space<vmem>>
    tpu.wait_dma2 semaphore(%arg12 : memref<!tpu.dma_semaphore, #tpu.memory_space<semaphore_mem>>) src(%dma_wait3A_418 : memref<128x128xf32, #tpu.memory_space<vmem>>) dst(%dma_wait3A_414 : memref<128x128xf32, #tpu.memory_space<hbm>>)
    return
  }
}

#map = affine_map<(d0, d1) -> (0, 0)>
module attributes {stable_mosaic.version = 14 : i64} {
  func.func @body(%arg0: i32, %arg1: i32, %arg2: memref<128x128xi32, #tpu.memory_space<hbm>>, %arg3: memref<53248x128xf32, #tpu.memory_space<hbm>>, %arg4: memref<16384x128xf32, #tpu.memory_space<hbm>>, %arg5: memref<4x128xi32, #tpu.memory_space<vmem>>, %arg6: memref<4x128x128xf32, #tpu.memory_space<vmem>>, %arg7: memref<!tpu.dma_semaphore, #tpu.memory_space<semaphore_mem>>, %arg8: memref<!tpu.dma_semaphore, #tpu.memory_space<semaphore_mem>>) attributes {dimension_semantics = [#tpu.dimension_semantics<core_parallel>, #tpu.dimension_semantics<subcore_parallel>], iteration_bounds = array<i64: 2, 16>, scalar_prefetch = 0 : i64, scratch_operands = 4 : i64, tpu.core_type = #tpu.core_type<sc_vector_subcore>, window_params = [{transform_indices = #map}, {transform_indices = #map}, {transform_indices = #map}]} {
    %mul3A = arith.constant 2 : i32
    %mul3A_0 = arith.muli %arg1, %mul3A : i32
    %add3A = arith.addi %mul3A_0, %arg0 : i32
    %mul3A_1 = arith.constant 512 : i32
    %mul3A_2 = arith.muli %add3A, %mul3A_1 : i32
    %mul3A_3 = arith.constant 4 : i32
    %mul3A_4 = arith.muli %add3A, %mul3A_3 : i32
    "tpu.region"() ({
      %run_scoped3A = tpu.sem_alloc : memref<!tpu.dma_semaphore, #tpu.memory_space<semaphore_mem>>
      %dma_start3A_211 = arith.constant 0 : i32
      %dma_start3A_212 = tpu.memref_slice %arg2[%mul3A_4, %dma_start3A_211] : memref<128x128xi32, #tpu.memory_space<hbm>> -> memref<4x128xi32, #tpu.memory_space<hbm>>
      %dma_start3A_213 = arith.constant 0 : i32
      %dma_start3A_214 = tpu.memref_slice %arg2[%mul3A_4, %dma_start3A_213] : memref<128x128xi32, #tpu.memory_space<hbm>> -> memref<4x128xi32, #tpu.memory_space<hbm>>
      tpu.enqueue_dma source(%dma_start3A_214 : memref<4x128xi32, #tpu.memory_space<hbm>>) target(%arg5 : memref<4x128xi32, #tpu.memory_space<vmem>>) target_semaphore(%run_scoped3A : memref<!tpu.dma_semaphore, #tpu.memory_space<semaphore_mem>>)
      %dma_wait3A_215 = arith.constant 0 : i32
      %dma_wait3A_216 = tpu.memref_slice %arg2[%mul3A_4, %dma_wait3A_215] : memref<128x128xi32, #tpu.memory_space<hbm>> -> memref<4x128xi32, #tpu.memory_space<hbm>>
      %dma_wait3A_217 = arith.constant 0 : i32
      %dma_wait3A_218 = tpu.memref_slice %arg2[%mul3A_4, %dma_wait3A_217] : memref<128x128xi32, #tpu.memory_space<hbm>> -> memref<4x128xi32, #tpu.memory_space<hbm>>
      tpu.wait_dma2 semaphore(%run_scoped3A : memref<!tpu.dma_semaphore, #tpu.memory_space<semaphore_mem>>) src(%dma_wait3A_218 : memref<4x128xi32, #tpu.memory_space<hbm>>) dst(%arg5 : memref<4x128xi32, #tpu.memory_space<vmem>>)
      tpu.yield
    }) : () -> ()
    %dma_start3A = arith.constant 0 : i32
    %dma_start3A_5 = arith.constant 0 : i32
    %dma_start3A_6 = arith.constant 0 : i32
    %dma_start3A_7 = arith.constant 0 : i32
    %dma_start3A_8 = tpu.memref_slice %arg6[%dma_start3A_5, %dma_start3A_6, %dma_start3A_7] : memref<4x128x128xf32, #tpu.memory_space<vmem>> -> memref<1x128x128xf32, #tpu.memory_space<vmem>>
    %dma_start3A_9 = tpu.memref_squeeze %dma_start3A_8 : memref<1x128x128xf32, #tpu.memory_space<vmem>> -> memref<128x128xf32, #tpu.memory_space<vmem>>
    %dma_start3A_10 = arith.constant 0 : i32
    %dma_start3A_11 = tpu.memref_slice %arg5[%dma_start3A, %dma_start3A_10] : memref<4x128xi32, #tpu.memory_space<vmem>> -> memref<1x128xi32, #tpu.memory_space<vmem>>
    %dma_start3A_12 = tpu.memref_squeeze %dma_start3A_11 : memref<1x128xi32, #tpu.memory_space<vmem>> -> memref<128xi32, #tpu.memory_space<vmem>>
    %dma_start3A_13 = arith.constant 0 : i32
    %dma_start3A_14 = arith.constant 0 : i32
    %dma_start3A_15 = tpu.memref_slice %arg3[%dma_start3A_13, %dma_start3A_14] : memref<53248x128xf32, #tpu.memory_space<hbm>> -> memref<53248x128xf32, #tpu.memory_space<hbm>>
    tpu.enqueue_indirect_dma source(%dma_start3A_15 : memref<53248x128xf32, #tpu.memory_space<hbm>>) target(%dma_start3A_9 : memref<128x128xf32, #tpu.memory_space<vmem>>) offsets(%dma_start3A_12 : memref<128xi32, #tpu.memory_space<vmem>>) semaphore(%arg7 : memref<!tpu.dma_semaphore, #tpu.memory_space<semaphore_mem>>)
    %dma_start3A_16 = arith.constant 1 : i32
    %dma_start3A_17 = arith.constant 1 : i32
    %dma_start3A_18 = arith.constant 0 : i32
    %dma_start3A_19 = arith.constant 0 : i32
    %dma_start3A_20 = tpu.memref_slice %arg6[%dma_start3A_17, %dma_start3A_18, %dma_start3A_19] : memref<4x128x128xf32, #tpu.memory_space<vmem>> -> memref<1x128x128xf32, #tpu.memory_space<vmem>>
    %dma_start3A_21 = tpu.memref_squeeze %dma_start3A_20 : memref<1x128x128xf32, #tpu.memory_space<vmem>> -> memref<128x128xf32, #tpu.memory_space<vmem>>
    %dma_start3A_22 = arith.constant 0 : i32
    %dma_start3A_23 = tpu.memref_slice %arg5[%dma_start3A_16, %dma_start3A_22] : memref<4x128xi32, #tpu.memory_space<vmem>> -> memref<1x128xi32, #tpu.memory_space<vmem>>
    %dma_start3A_24 = tpu.memref_squeeze %dma_start3A_23 : memref<1x128xi32, #tpu.memory_space<vmem>> -> memref<128xi32, #tpu.memory_space<vmem>>
    %dma_start3A_25 = arith.constant 0 : i32
    %dma_start3A_26 = arith.constant 0 : i32
    %dma_start3A_27 = tpu.memref_slice %arg3[%dma_start3A_25, %dma_start3A_26] : memref<53248x128xf32, #tpu.memory_space<hbm>> -> memref<53248x128xf32, #tpu.memory_space<hbm>>
    tpu.enqueue_indirect_dma source(%dma_start3A_27 : memref<53248x128xf32, #tpu.memory_space<hbm>>) target(%dma_start3A_21 : memref<128x128xf32, #tpu.memory_space<vmem>>) offsets(%dma_start3A_24 : memref<128xi32, #tpu.memory_space<vmem>>) semaphore(%arg7 : memref<!tpu.dma_semaphore, #tpu.memory_space<semaphore_mem>>)
    %dma_start3A_28 = arith.constant 2 : i32
    %dma_start3A_29 = arith.constant 2 : i32
    %dma_start3A_30 = arith.constant 0 : i32
    %dma_start3A_31 = arith.constant 0 : i32
    %dma_start3A_32 = tpu.memref_slice %arg6[%dma_start3A_29, %dma_start3A_30, %dma_start3A_31] : memref<4x128x128xf32, #tpu.memory_space<vmem>> -> memref<1x128x128xf32, #tpu.memory_space<vmem>>
    %dma_start3A_33 = tpu.memref_squeeze %dma_start3A_32 : memref<1x128x128xf32, #tpu.memory_space<vmem>> -> memref<128x128xf32, #tpu.memory_space<vmem>>
    %dma_start3A_34 = arith.constant 0 : i32
    %dma_start3A_35 = tpu.memref_slice %arg5[%dma_start3A_28, %dma_start3A_34] : memref<4x128xi32, #tpu.memory_space<vmem>> -> memref<1x128xi32, #tpu.memory_space<vmem>>
    %dma_start3A_36 = tpu.memref_squeeze %dma_start3A_35 : memref<1x128xi32, #tpu.memory_space<vmem>> -> memref<128xi32, #tpu.memory_space<vmem>>
    %dma_start3A_37 = arith.constant 0 : i32
    %dma_start3A_38 = arith.constant 0 : i32
    %dma_start3A_39 = tpu.memref_slice %arg3[%dma_start3A_37, %dma_start3A_38] : memref<53248x128xf32, #tpu.memory_space<hbm>> -> memref<53248x128xf32, #tpu.memory_space<hbm>>
    tpu.enqueue_indirect_dma source(%dma_start3A_39 : memref<53248x128xf32, #tpu.memory_space<hbm>>) target(%dma_start3A_33 : memref<128x128xf32, #tpu.memory_space<vmem>>) offsets(%dma_start3A_36 : memref<128xi32, #tpu.memory_space<vmem>>) semaphore(%arg7 : memref<!tpu.dma_semaphore, #tpu.memory_space<semaphore_mem>>)
    %dma_start3A_40 = arith.constant 3 : i32
    %dma_start3A_41 = arith.constant 3 : i32
    %dma_start3A_42 = arith.constant 0 : i32
    %dma_start3A_43 = arith.constant 0 : i32
    %dma_start3A_44 = tpu.memref_slice %arg6[%dma_start3A_41, %dma_start3A_42, %dma_start3A_43] : memref<4x128x128xf32, #tpu.memory_space<vmem>> -> memref<1x128x128xf32, #tpu.memory_space<vmem>>
    %dma_start3A_45 = tpu.memref_squeeze %dma_start3A_44 : memref<1x128x128xf32, #tpu.memory_space<vmem>> -> memref<128x128xf32, #tpu.memory_space<vmem>>
    %dma_start3A_46 = arith.constant 0 : i32
    %dma_start3A_47 = tpu.memref_slice %arg5[%dma_start3A_40, %dma_start3A_46] : memref<4x128xi32, #tpu.memory_space<vmem>> -> memref<1x128xi32, #tpu.memory_space<vmem>>
    %dma_start3A_48 = tpu.memref_squeeze %dma_start3A_47 : memref<1x128xi32, #tpu.memory_space<vmem>> -> memref<128xi32, #tpu.memory_space<vmem>>
    %dma_start3A_49 = arith.constant 0 : i32
    %dma_start3A_50 = arith.constant 0 : i32
    %dma_start3A_51 = tpu.memref_slice %arg3[%dma_start3A_49, %dma_start3A_50] : memref<53248x128xf32, #tpu.memory_space<hbm>> -> memref<53248x128xf32, #tpu.memory_space<hbm>>
    tpu.enqueue_indirect_dma source(%dma_start3A_51 : memref<53248x128xf32, #tpu.memory_space<hbm>>) target(%dma_start3A_45 : memref<128x128xf32, #tpu.memory_space<vmem>>) offsets(%dma_start3A_48 : memref<128xi32, #tpu.memory_space<vmem>>) semaphore(%arg7 : memref<!tpu.dma_semaphore, #tpu.memory_space<semaphore_mem>>)
    %dma_wait3A = arith.constant 0 : i32
    %dma_wait3A_52 = arith.constant 0 : i32
    %dma_wait3A_53 = arith.constant 0 : i32
    %dma_wait3A_54 = arith.constant 0 : i32
    %dma_wait3A_55 = tpu.memref_slice %arg6[%dma_wait3A_52, %dma_wait3A_53, %dma_wait3A_54] : memref<4x128x128xf32, #tpu.memory_space<vmem>> -> memref<1x128x128xf32, #tpu.memory_space<vmem>>
    %dma_wait3A_56 = tpu.memref_squeeze %dma_wait3A_55 : memref<1x128x128xf32, #tpu.memory_space<vmem>> -> memref<128x128xf32, #tpu.memory_space<vmem>>
    %dma_wait3A_57 = arith.constant 0 : i32
    %dma_wait3A_58 = tpu.memref_slice %arg5[%dma_wait3A, %dma_wait3A_57] : memref<4x128xi32, #tpu.memory_space<vmem>> -> memref<1x128xi32, #tpu.memory_space<vmem>>
    %dma_wait3A_59 = tpu.memref_squeeze %dma_wait3A_58 : memref<1x128xi32, #tpu.memory_space<vmem>> -> memref<128xi32, #tpu.memory_space<vmem>>
    %dma_wait3A_60 = arith.constant 0 : i32
    %dma_wait3A_61 = arith.constant 0 : i32
    %dma_wait3A_62 = tpu.memref_slice %arg3[%dma_wait3A_60, %dma_wait3A_61] : memref<53248x128xf32, #tpu.memory_space<hbm>> -> memref<53248x128xf32, #tpu.memory_space<hbm>>
    tpu.wait_indirect_dma semaphore(%arg7 : memref<!tpu.dma_semaphore, #tpu.memory_space<semaphore_mem>>) src(%dma_wait3A_62 : memref<53248x128xf32, #tpu.memory_space<hbm>>) dst(%dma_wait3A_56 : memref<128x128xf32, #tpu.memory_space<vmem>>)
    %add3A_63 = arith.constant 0 : i32
    %add3A_64 = arith.addi %mul3A_2, %add3A_63 : i32
    %dma_start3A_65 = arith.constant 0 : i32
    %dma_start3A_66 = arith.constant 0 : i32
    %dma_start3A_67 = arith.constant 0 : i32
    %dma_start3A_68 = tpu.memref_slice %arg6[%dma_start3A_65, %dma_start3A_66, %dma_start3A_67] : memref<4x128x128xf32, #tpu.memory_space<vmem>> -> memref<1x128x128xf32, #tpu.memory_space<vmem>>
    %dma_start3A_69 = tpu.memref_squeeze %dma_start3A_68 : memref<1x128x128xf32, #tpu.memory_space<vmem>> -> memref<128x128xf32, #tpu.memory_space<vmem>>
    %dma_start3A_70 = arith.constant 0 : i32
    %dma_start3A_71 = tpu.memref_slice %arg4[%add3A_64, %dma_start3A_70] : memref<16384x128xf32, #tpu.memory_space<hbm>> -> memref<128x128xf32, #tpu.memory_space<hbm>>
    %dma_start3A_72 = arith.constant 0 : i32
    %dma_start3A_73 = tpu.memref_slice %arg4[%add3A_64, %dma_start3A_72] : memref<16384x128xf32, #tpu.memory_space<hbm>> -> memref<128x128xf32, #tpu.memory_space<hbm>>
    %dma_start3A_74 = arith.constant 0 : i32
    %dma_start3A_75 = arith.constant 0 : i32
    %dma_start3A_76 = tpu.memref_slice %arg6[%dma_start3A_65, %dma_start3A_74, %dma_start3A_75] : memref<4x128x128xf32, #tpu.memory_space<vmem>> -> memref<1x128x128xf32, #tpu.memory_space<vmem>>
    %dma_start3A_77 = tpu.memref_squeeze %dma_start3A_76 : memref<1x128x128xf32, #tpu.memory_space<vmem>> -> memref<128x128xf32, #tpu.memory_space<vmem>>
    tpu.enqueue_dma source(%dma_start3A_77 : memref<128x128xf32, #tpu.memory_space<vmem>>) target(%dma_start3A_73 : memref<128x128xf32, #tpu.memory_space<hbm>>) target_semaphore(%arg8 : memref<!tpu.dma_semaphore, #tpu.memory_space<semaphore_mem>>)
    %dma_wait3A_78 = arith.constant 1 : i32
    %dma_wait3A_79 = arith.constant 1 : i32
    %dma_wait3A_80 = arith.constant 0 : i32
    %dma_wait3A_81 = arith.constant 0 : i32
    %dma_wait3A_82 = tpu.memref_slice %arg6[%dma_wait3A_79, %dma_wait3A_80, %dma_wait3A_81] : memref<4x128x128xf32, #tpu.memory_space<vmem>> -> memref<1x128x128xf32, #tpu.memory_space<vmem>>
    %dma_wait3A_83 = tpu.memref_squeeze %dma_wait3A_82 : memref<1x128x128xf32, #tpu.memory_space<vmem>> -> memref<128x128xf32, #tpu.memory_space<vmem>>
    %dma_wait3A_84 = arith.constant 0 : i32
    %dma_wait3A_85 = tpu.memref_slice %arg5[%dma_wait3A_78, %dma_wait3A_84] : memref<4x128xi32, #tpu.memory_space<vmem>> -> memref<1x128xi32, #tpu.memory_space<vmem>>
    %dma_wait3A_86 = tpu.memref_squeeze %dma_wait3A_85 : memref<1x128xi32, #tpu.memory_space<vmem>> -> memref<128xi32, #tpu.memory_space<vmem>>
    %dma_wait3A_87 = arith.constant 0 : i32
    %dma_wait3A_88 = arith.constant 0 : i32
    %dma_wait3A_89 = tpu.memref_slice %arg3[%dma_wait3A_87, %dma_wait3A_88] : memref<53248x128xf32, #tpu.memory_space<hbm>> -> memref<53248x128xf32, #tpu.memory_space<hbm>>
    tpu.wait_indirect_dma semaphore(%arg7 : memref<!tpu.dma_semaphore, #tpu.memory_space<semaphore_mem>>) src(%dma_wait3A_89 : memref<53248x128xf32, #tpu.memory_space<hbm>>) dst(%dma_wait3A_83 : memref<128x128xf32, #tpu.memory_space<vmem>>)
    %add3A_90 = arith.constant 128 : i32
    %add3A_91 = arith.addi %mul3A_2, %add3A_90 : i32
    %dma_start3A_92 = arith.constant 1 : i32
    %dma_start3A_93 = arith.constant 0 : i32
    %dma_start3A_94 = arith.constant 0 : i32
    %dma_start3A_95 = tpu.memref_slice %arg6[%dma_start3A_92, %dma_start3A_93, %dma_start3A_94] : memref<4x128x128xf32, #tpu.memory_space<vmem>> -> memref<1x128x128xf32, #tpu.memory_space<vmem>>
    %dma_start3A_96 = tpu.memref_squeeze %dma_start3A_95 : memref<1x128x128xf32, #tpu.memory_space<vmem>> -> memref<128x128xf32, #tpu.memory_space<vmem>>
    %dma_start3A_97 = arith.constant 0 : i32
    %dma_start3A_98 = tpu.memref_slice %arg4[%add3A_91, %dma_start3A_97] : memref<16384x128xf32, #tpu.memory_space<hbm>> -> memref<128x128xf32, #tpu.memory_space<hbm>>
    %dma_start3A_99 = arith.constant 0 : i32
    %dma_start3A_100 = tpu.memref_slice %arg4[%add3A_91, %dma_start3A_99] : memref<16384x128xf32, #tpu.memory_space<hbm>> -> memref<128x128xf32, #tpu.memory_space<hbm>>
    %dma_start3A_101 = arith.constant 0 : i32
    %dma_start3A_102 = arith.constant 0 : i32
    %dma_start3A_103 = tpu.memref_slice %arg6[%dma_start3A_92, %dma_start3A_101, %dma_start3A_102] : memref<4x128x128xf32, #tpu.memory_space<vmem>> -> memref<1x128x128xf32, #tpu.memory_space<vmem>>
    %dma_start3A_104 = tpu.memref_squeeze %dma_start3A_103 : memref<1x128x128xf32, #tpu.memory_space<vmem>> -> memref<128x128xf32, #tpu.memory_space<vmem>>
    tpu.enqueue_dma source(%dma_start3A_104 : memref<128x128xf32, #tpu.memory_space<vmem>>) target(%dma_start3A_100 : memref<128x128xf32, #tpu.memory_space<hbm>>) target_semaphore(%arg8 : memref<!tpu.dma_semaphore, #tpu.memory_space<semaphore_mem>>)
    %dma_wait3A_105 = arith.constant 2 : i32
    %dma_wait3A_106 = arith.constant 2 : i32
    %dma_wait3A_107 = arith.constant 0 : i32
    %dma_wait3A_108 = arith.constant 0 : i32
    %dma_wait3A_109 = tpu.memref_slice %arg6[%dma_wait3A_106, %dma_wait3A_107, %dma_wait3A_108] : memref<4x128x128xf32, #tpu.memory_space<vmem>> -> memref<1x128x128xf32, #tpu.memory_space<vmem>>
    %dma_wait3A_110 = tpu.memref_squeeze %dma_wait3A_109 : memref<1x128x128xf32, #tpu.memory_space<vmem>> -> memref<128x128xf32, #tpu.memory_space<vmem>>
    %dma_wait3A_111 = arith.constant 0 : i32
    %dma_wait3A_112 = tpu.memref_slice %arg5[%dma_wait3A_105, %dma_wait3A_111] : memref<4x128xi32, #tpu.memory_space<vmem>> -> memref<1x128xi32, #tpu.memory_space<vmem>>
    %dma_wait3A_113 = tpu.memref_squeeze %dma_wait3A_112 : memref<1x128xi32, #tpu.memory_space<vmem>> -> memref<128xi32, #tpu.memory_space<vmem>>
    %dma_wait3A_114 = arith.constant 0 : i32
    %dma_wait3A_115 = arith.constant 0 : i32
    %dma_wait3A_116 = tpu.memref_slice %arg3[%dma_wait3A_114, %dma_wait3A_115] : memref<53248x128xf32, #tpu.memory_space<hbm>> -> memref<53248x128xf32, #tpu.memory_space<hbm>>
    tpu.wait_indirect_dma semaphore(%arg7 : memref<!tpu.dma_semaphore, #tpu.memory_space<semaphore_mem>>) src(%dma_wait3A_116 : memref<53248x128xf32, #tpu.memory_space<hbm>>) dst(%dma_wait3A_110 : memref<128x128xf32, #tpu.memory_space<vmem>>)
    %add3A_117 = arith.constant 256 : i32
    %add3A_118 = arith.addi %mul3A_2, %add3A_117 : i32
    %dma_start3A_119 = arith.constant 2 : i32
    %dma_start3A_120 = arith.constant 0 : i32
    %dma_start3A_121 = arith.constant 0 : i32
    %dma_start3A_122 = tpu.memref_slice %arg6[%dma_start3A_119, %dma_start3A_120, %dma_start3A_121] : memref<4x128x128xf32, #tpu.memory_space<vmem>> -> memref<1x128x128xf32, #tpu.memory_space<vmem>>
    %dma_start3A_123 = tpu.memref_squeeze %dma_start3A_122 : memref<1x128x128xf32, #tpu.memory_space<vmem>> -> memref<128x128xf32, #tpu.memory_space<vmem>>
    %dma_start3A_124 = arith.constant 0 : i32
    %dma_start3A_125 = tpu.memref_slice %arg4[%add3A_118, %dma_start3A_124] : memref<16384x128xf32, #tpu.memory_space<hbm>> -> memref<128x128xf32, #tpu.memory_space<hbm>>
    %dma_start3A_126 = arith.constant 0 : i32
    %dma_start3A_127 = tpu.memref_slice %arg4[%add3A_118, %dma_start3A_126] : memref<16384x128xf32, #tpu.memory_space<hbm>> -> memref<128x128xf32, #tpu.memory_space<hbm>>
    %dma_start3A_128 = arith.constant 0 : i32
    %dma_start3A_129 = arith.constant 0 : i32
    %dma_start3A_130 = tpu.memref_slice %arg6[%dma_start3A_119, %dma_start3A_128, %dma_start3A_129] : memref<4x128x128xf32, #tpu.memory_space<vmem>> -> memref<1x128x128xf32, #tpu.memory_space<vmem>>
    %dma_start3A_131 = tpu.memref_squeeze %dma_start3A_130 : memref<1x128x128xf32, #tpu.memory_space<vmem>> -> memref<128x128xf32, #tpu.memory_space<vmem>>
    tpu.enqueue_dma source(%dma_start3A_131 : memref<128x128xf32, #tpu.memory_space<vmem>>) target(%dma_start3A_127 : memref<128x128xf32, #tpu.memory_space<hbm>>) target_semaphore(%arg8 : memref<!tpu.dma_semaphore, #tpu.memory_space<semaphore_mem>>)
    %dma_wait3A_132 = arith.constant 3 : i32
    %dma_wait3A_133 = arith.constant 3 : i32
    %dma_wait3A_134 = arith.constant 0 : i32
    %dma_wait3A_135 = arith.constant 0 : i32
    %dma_wait3A_136 = tpu.memref_slice %arg6[%dma_wait3A_133, %dma_wait3A_134, %dma_wait3A_135] : memref<4x128x128xf32, #tpu.memory_space<vmem>> -> memref<1x128x128xf32, #tpu.memory_space<vmem>>
    %dma_wait3A_137 = tpu.memref_squeeze %dma_wait3A_136 : memref<1x128x128xf32, #tpu.memory_space<vmem>> -> memref<128x128xf32, #tpu.memory_space<vmem>>
    %dma_wait3A_138 = arith.constant 0 : i32
    %dma_wait3A_139 = tpu.memref_slice %arg5[%dma_wait3A_132, %dma_wait3A_138] : memref<4x128xi32, #tpu.memory_space<vmem>> -> memref<1x128xi32, #tpu.memory_space<vmem>>
    %dma_wait3A_140 = tpu.memref_squeeze %dma_wait3A_139 : memref<1x128xi32, #tpu.memory_space<vmem>> -> memref<128xi32, #tpu.memory_space<vmem>>
    %dma_wait3A_141 = arith.constant 0 : i32
    %dma_wait3A_142 = arith.constant 0 : i32
    %dma_wait3A_143 = tpu.memref_slice %arg3[%dma_wait3A_141, %dma_wait3A_142] : memref<53248x128xf32, #tpu.memory_space<hbm>> -> memref<53248x128xf32, #tpu.memory_space<hbm>>
    tpu.wait_indirect_dma semaphore(%arg7 : memref<!tpu.dma_semaphore, #tpu.memory_space<semaphore_mem>>) src(%dma_wait3A_143 : memref<53248x128xf32, #tpu.memory_space<hbm>>) dst(%dma_wait3A_137 : memref<128x128xf32, #tpu.memory_space<vmem>>)
    %add3A_144 = arith.constant 384 : i32
    %add3A_145 = arith.addi %mul3A_2, %add3A_144 : i32
    %dma_start3A_146 = arith.constant 3 : i32
    %dma_start3A_147 = arith.constant 0 : i32
    %dma_start3A_148 = arith.constant 0 : i32
    %dma_start3A_149 = tpu.memref_slice %arg6[%dma_start3A_146, %dma_start3A_147, %dma_start3A_148] : memref<4x128x128xf32, #tpu.memory_space<vmem>> -> memref<1x128x128xf32, #tpu.memory_space<vmem>>
    %dma_start3A_150 = tpu.memref_squeeze %dma_start3A_149 : memref<1x128x128xf32, #tpu.memory_space<vmem>> -> memref<128x128xf32, #tpu.memory_space<vmem>>
    %dma_start3A_151 = arith.constant 0 : i32
    %dma_start3A_152 = tpu.memref_slice %arg4[%add3A_145, %dma_start3A_151] : memref<16384x128xf32, #tpu.memory_space<hbm>> -> memref<128x128xf32, #tpu.memory_space<hbm>>
    %dma_start3A_153 = arith.constant 0 : i32
    %dma_start3A_154 = tpu.memref_slice %arg4[%add3A_145, %dma_start3A_153] : memref<16384x128xf32, #tpu.memory_space<hbm>> -> memref<128x128xf32, #tpu.memory_space<hbm>>
    %dma_start3A_155 = arith.constant 0 : i32
    %dma_start3A_156 = arith.constant 0 : i32
    %dma_start3A_157 = tpu.memref_slice %arg6[%dma_start3A_146, %dma_start3A_155, %dma_start3A_156] : memref<4x128x128xf32, #tpu.memory_space<vmem>> -> memref<1x128x128xf32, #tpu.memory_space<vmem>>
    %dma_start3A_158 = tpu.memref_squeeze %dma_start3A_157 : memref<1x128x128xf32, #tpu.memory_space<vmem>> -> memref<128x128xf32, #tpu.memory_space<vmem>>
    tpu.enqueue_dma source(%dma_start3A_158 : memref<128x128xf32, #tpu.memory_space<vmem>>) target(%dma_start3A_154 : memref<128x128xf32, #tpu.memory_space<hbm>>) target_semaphore(%arg8 : memref<!tpu.dma_semaphore, #tpu.memory_space<semaphore_mem>>)
    %dma_wait3A_159 = arith.constant 0 : i32
    %dma_wait3A_160 = arith.constant 0 : i32
    %dma_wait3A_161 = arith.constant 0 : i32
    %dma_wait3A_162 = tpu.memref_slice %arg6[%dma_wait3A_159, %dma_wait3A_160, %dma_wait3A_161] : memref<4x128x128xf32, #tpu.memory_space<vmem>> -> memref<1x128x128xf32, #tpu.memory_space<vmem>>
    %dma_wait3A_163 = tpu.memref_squeeze %dma_wait3A_162 : memref<1x128x128xf32, #tpu.memory_space<vmem>> -> memref<128x128xf32, #tpu.memory_space<vmem>>
    %dma_wait3A_164 = arith.constant 0 : i32
    %dma_wait3A_165 = tpu.memref_slice %arg4[%add3A_64, %dma_wait3A_164] : memref<16384x128xf32, #tpu.memory_space<hbm>> -> memref<128x128xf32, #tpu.memory_space<hbm>>
    %dma_wait3A_166 = arith.constant 0 : i32
    %dma_wait3A_167 = tpu.memref_slice %arg4[%add3A_64, %dma_wait3A_166] : memref<16384x128xf32, #tpu.memory_space<hbm>> -> memref<128x128xf32, #tpu.memory_space<hbm>>
    %dma_wait3A_168 = arith.constant 0 : i32
    %dma_wait3A_169 = arith.constant 0 : i32
    %dma_wait3A_170 = tpu.memref_slice %arg6[%dma_wait3A_159, %dma_wait3A_168, %dma_wait3A_169] : memref<4x128x128xf32, #tpu.memory_space<vmem>> -> memref<1x128x128xf32, #tpu.memory_space<vmem>>
    %dma_wait3A_171 = tpu.memref_squeeze %dma_wait3A_170 : memref<1x128x128xf32, #tpu.memory_space<vmem>> -> memref<128x128xf32, #tpu.memory_space<vmem>>
    tpu.wait_dma2 semaphore(%arg8 : memref<!tpu.dma_semaphore, #tpu.memory_space<semaphore_mem>>) src(%dma_wait3A_171 : memref<128x128xf32, #tpu.memory_space<vmem>>) dst(%dma_wait3A_167 : memref<128x128xf32, #tpu.memory_space<hbm>>)
    %dma_wait3A_172 = arith.constant 1 : i32
    %dma_wait3A_173 = arith.constant 0 : i32
    %dma_wait3A_174 = arith.constant 0 : i32
    %dma_wait3A_175 = tpu.memref_slice %arg6[%dma_wait3A_172, %dma_wait3A_173, %dma_wait3A_174] : memref<4x128x128xf32, #tpu.memory_space<vmem>> -> memref<1x128x128xf32, #tpu.memory_space<vmem>>
    %dma_wait3A_176 = tpu.memref_squeeze %dma_wait3A_175 : memref<1x128x128xf32, #tpu.memory_space<vmem>> -> memref<128x128xf32, #tpu.memory_space<vmem>>
    %dma_wait3A_177 = arith.constant 0 : i32
    %dma_wait3A_178 = tpu.memref_slice %arg4[%add3A_91, %dma_wait3A_177] : memref<16384x128xf32, #tpu.memory_space<hbm>> -> memref<128x128xf32, #tpu.memory_space<hbm>>
    %dma_wait3A_179 = arith.constant 0 : i32
    %dma_wait3A_180 = tpu.memref_slice %arg4[%add3A_91, %dma_wait3A_179] : memref<16384x128xf32, #tpu.memory_space<hbm>> -> memref<128x128xf32, #tpu.memory_space<hbm>>
    %dma_wait3A_181 = arith.constant 0 : i32
    %dma_wait3A_182 = arith.constant 0 : i32
    %dma_wait3A_183 = tpu.memref_slice %arg6[%dma_wait3A_172, %dma_wait3A_181, %dma_wait3A_182] : memref<4x128x128xf32, #tpu.memory_space<vmem>> -> memref<1x128x128xf32, #tpu.memory_space<vmem>>
    %dma_wait3A_184 = tpu.memref_squeeze %dma_wait3A_183 : memref<1x128x128xf32, #tpu.memory_space<vmem>> -> memref<128x128xf32, #tpu.memory_space<vmem>>
    tpu.wait_dma2 semaphore(%arg8 : memref<!tpu.dma_semaphore, #tpu.memory_space<semaphore_mem>>) src(%dma_wait3A_184 : memref<128x128xf32, #tpu.memory_space<vmem>>) dst(%dma_wait3A_180 : memref<128x128xf32, #tpu.memory_space<hbm>>)
    %dma_wait3A_185 = arith.constant 2 : i32
    %dma_wait3A_186 = arith.constant 0 : i32
    %dma_wait3A_187 = arith.constant 0 : i32
    %dma_wait3A_188 = tpu.memref_slice %arg6[%dma_wait3A_185, %dma_wait3A_186, %dma_wait3A_187] : memref<4x128x128xf32, #tpu.memory_space<vmem>> -> memref<1x128x128xf32, #tpu.memory_space<vmem>>
    %dma_wait3A_189 = tpu.memref_squeeze %dma_wait3A_188 : memref<1x128x128xf32, #tpu.memory_space<vmem>> -> memref<128x128xf32, #tpu.memory_space<vmem>>
    %dma_wait3A_190 = arith.constant 0 : i32
    %dma_wait3A_191 = tpu.memref_slice %arg4[%add3A_118, %dma_wait3A_190] : memref<16384x128xf32, #tpu.memory_space<hbm>> -> memref<128x128xf32, #tpu.memory_space<hbm>>
    %dma_wait3A_192 = arith.constant 0 : i32
    %dma_wait3A_193 = tpu.memref_slice %arg4[%add3A_118, %dma_wait3A_192] : memref<16384x128xf32, #tpu.memory_space<hbm>> -> memref<128x128xf32, #tpu.memory_space<hbm>>
    %dma_wait3A_194 = arith.constant 0 : i32
    %dma_wait3A_195 = arith.constant 0 : i32
    %dma_wait3A_196 = tpu.memref_slice %arg6[%dma_wait3A_185, %dma_wait3A_194, %dma_wait3A_195] : memref<4x128x128xf32, #tpu.memory_space<vmem>> -> memref<1x128x128xf32, #tpu.memory_space<vmem>>
    %dma_wait3A_197 = tpu.memref_squeeze %dma_wait3A_196 : memref<1x128x128xf32, #tpu.memory_space<vmem>> -> memref<128x128xf32, #tpu.memory_space<vmem>>
    tpu.wait_dma2 semaphore(%arg8 : memref<!tpu.dma_semaphore, #tpu.memory_space<semaphore_mem>>) src(%dma_wait3A_197 : memref<128x128xf32, #tpu.memory_space<vmem>>) dst(%dma_wait3A_193 : memref<128x128xf32, #tpu.memory_space<hbm>>)
    %dma_wait3A_198 = arith.constant 3 : i32
    %dma_wait3A_199 = arith.constant 0 : i32
    %dma_wait3A_200 = arith.constant 0 : i32
    %dma_wait3A_201 = tpu.memref_slice %arg6[%dma_wait3A_198, %dma_wait3A_199, %dma_wait3A_200] : memref<4x128x128xf32, #tpu.memory_space<vmem>> -> memref<1x128x128xf32, #tpu.memory_space<vmem>>
    %dma_wait3A_202 = tpu.memref_squeeze %dma_wait3A_201 : memref<1x128x128xf32, #tpu.memory_space<vmem>> -> memref<128x128xf32, #tpu.memory_space<vmem>>
    %dma_wait3A_203 = arith.constant 0 : i32
    %dma_wait3A_204 = tpu.memref_slice %arg4[%add3A_145, %dma_wait3A_203] : memref<16384x128xf32, #tpu.memory_space<hbm>> -> memref<128x128xf32, #tpu.memory_space<hbm>>
    %dma_wait3A_205 = arith.constant 0 : i32
    %dma_wait3A_206 = tpu.memref_slice %arg4[%add3A_145, %dma_wait3A_205] : memref<16384x128xf32, #tpu.memory_space<hbm>> -> memref<128x128xf32, #tpu.memory_space<hbm>>
    %dma_wait3A_207 = arith.constant 0 : i32
    %dma_wait3A_208 = arith.constant 0 : i32
    %dma_wait3A_209 = tpu.memref_slice %arg6[%dma_wait3A_198, %dma_wait3A_207, %dma_wait3A_208] : memref<4x128x128xf32, #tpu.memory_space<vmem>> -> memref<1x128x128xf32, #tpu.memory_space<vmem>>
    %dma_wait3A_210 = tpu.memref_squeeze %dma_wait3A_209 : memref<1x128x128xf32, #tpu.memory_space<vmem>> -> memref<128x128xf32, #tpu.memory_space<vmem>>
    tpu.wait_dma2 semaphore(%arg8 : memref<!tpu.dma_semaphore, #tpu.memory_space<semaphore_mem>>) src(%dma_wait3A_210 : memref<128x128xf32, #tpu.memory_space<vmem>>) dst(%dma_wait3A_206 : memref<128x128xf32, #tpu.memory_space<hbm>>)
    return
  }
}

module attributes {stable_mosaic.version = 14 : i64} {
  func.func @_proj2_body(%arg0: i32, %arg1: memref<64x4096xf32, #tpu.memory_space<vmem>>, %arg2: memref<64x4096xf32, #tpu.memory_space<vmem>>, %arg3: memref<64x64xf32, #tpu.memory_space<vmem>>, %arg4: memref<4096x128xf32, #tpu.memory_space<vmem>>) attributes {dimension_semantics = [#tpu.dimension_semantics<arbitrary>], iteration_bounds = array<i64: 13>, scalar_prefetch = 0 : i64, scratch_operands = 0 : i64, tpu.core_type = #tpu.core_type<tc>, window_params = [{transform_indices = @transform_0, window_bounds = array<i64: 64, 4096>}, {transform_indices = @transform_1, window_bounds = array<i64: 64, 4096>}, {pipeline_mode = #tpu.pipeline_mode<synchronous>, transform_indices = @transform_2, window_bounds = array<i64: 64, 64>}, {transform_indices = @transform_3, window_bounds = array<i64: 4096, 128>}]} {
    %get3A = arith.constant 0 : index
    %get3A_0 = arith.constant 0 : index
    %get3A_1 = vector.load %arg3[%get3A, %get3A_0] : memref<64x64xf32, #tpu.memory_space<vmem>>, vector<64x64xf32>
    %convert_element_type3A = arith.truncf %get3A_1 : vector<64x64xf32> to vector<64x64xbf16>
    %get3A_2 = arith.constant 0 : index
    %get3A_3 = arith.constant 0 : index
    %get3A_4 = vector.load %arg1[%get3A_2, %get3A_3] : memref<64x4096xf32, #tpu.memory_space<vmem>>, vector<64x4096xf32>
    %convert_element_type3A_5 = arith.truncf %get3A_4 : vector<64x4096xf32> to vector<64x4096xbf16>
    %dot_general3A = arith.constant dense<0.000000e+00> : vector<4096x64xf32>
    %dot_general3A_6 = tpu.matmul %convert_element_type3A_5, %convert_element_type3A, %dot_general3A {dimension_numbers = #tpu.dot_dimension_numbers<[0], [0], [1], [1], [0, 1, 1, 1], [], []>, transpose_lhs_hint = false} : vector<64x4096xbf16>, vector<64x64xbf16>, vector<4096x64xf32> -> vector<4096x64xf32>
    %get3A_7 = arith.constant 0 : index
    %get3A_8 = arith.constant 0 : index
    %get3A_9 = vector.load %arg2[%get3A_7, %get3A_8] : memref<64x4096xf32, #tpu.memory_space<vmem>>, vector<64x4096xf32>
    %convert_element_type3A_10 = arith.truncf %get3A_9 : vector<64x4096xf32> to vector<64x4096xbf16>
    %dot_general3A_11 = arith.constant dense<0.000000e+00> : vector<4096x64xf32>
    %dot_general3A_12 = tpu.matmul %convert_element_type3A_10, %convert_element_type3A, %dot_general3A_11 {dimension_numbers = #tpu.dot_dimension_numbers<[0], [0], [1], [1], [0, 1, 1, 1], [], []>, transpose_lhs_hint = false} : vector<64x4096xbf16>, vector<64x64xbf16>, vector<4096x64xf32> -> vector<4096x64xf32>
    %concatenate3A = tpu.concatenate %dot_general3A_6, %dot_general3A_12 in 1 : vector<4096x64xf32>, vector<4096x64xf32> -> vector<4096x128xf32>
    %swap3A = arith.constant 0 : index
    %swap3A_13 = arith.constant 0 : index
    %swap3A_14 = vector.load %arg4[%swap3A, %swap3A_13] : memref<4096x128xf32, #tpu.memory_space<vmem>>, vector<4096x128xf32>
    tpu.vector_store %arg4[%swap3A, %swap3A_13], %concatenate3A {strides = array<i32>} : memref<4096x128xf32, #tpu.memory_space<vmem>>, vector<4096x128xf32>,
    return
  }
  func.func @transform_0(%arg0: i32) -> (i32, i32) {
    %mul3A = arith.constant 2 : i32
    %mul3A_0 = arith.muli %mul3A, %arg0 : i32
    %c0_i32 = arith.constant 0 : i32
    %c0_i32_1 = arith.constant 0 : i32
    return %c0_i32, %mul3A_0 : i32, i32
  }
  func.func @transform_1(%arg0: i32) -> (i32, i32) {
    %mul3A = arith.constant 2 : i32
    %mul3A_0 = arith.muli %mul3A, %arg0 : i32
    %add3A = arith.constant 1 : i32
    %add3A_1 = arith.addi %mul3A_0, %add3A : i32
    %min3A = arith.constant 24 : i32
    %min3A_2 = arith.minsi %add3A_1, %min3A : i32
    %c0_i32 = arith.constant 0 : i32
    %c0_i32_3 = arith.constant 0 : i32
    return %c0_i32, %min3A_2 : i32, i32
  }
  func.func @transform_2(%arg0: i32) -> (i32, i32) {
    %c0_i32 = arith.constant 0 : i32
    %c0_i32_0 = arith.constant 0 : i32
    %c0_i32_1 = arith.constant 0 : i32
    return %c0_i32, %c0_i32_0 : i32, i32
  }
  func.func @transform_3(%arg0: i32) -> (i32, i32) {
    %c0_i32 = arith.constant 0 : i32
    %c0_i32_0 = arith.constant 0 : i32
    return %arg0, %c0_i32 : i32, i32
  }
}

module attributes {stable_mosaic.version = 14 : i64} {
  func.func @_proj_gf_body(%arg0: i32, %arg1: memref<32x4096xf32, #tpu.memory_space<vmem>>, %arg2: memref<32x4096xf32, #tpu.memory_space<vmem>>, %arg3: memref<32x64xf32, #tpu.memory_space<vmem>>, %arg4: memref<16x4096xf32, #tpu.memory_space<vmem>>, %arg5: memref<16x4096xf32, #tpu.memory_space<vmem>>, %arg6: memref<16x64xf32, #tpu.memory_space<vmem>>, %arg7: memref<4096x128xf32, #tpu.memory_space<vmem>>, %arg8: memref<4096x128xf32, #tpu.memory_space<vmem>>) attributes {dimension_semantics = [#tpu.dimension_semantics<arbitrary>], iteration_bounds = array<i64: 3>, scalar_prefetch = 0 : i64, scratch_operands = 0 : i64, tpu.core_type = #tpu.core_type<tc>, window_params = [{transform_indices = @transform_0, window_bounds = array<i64: 32, 4096>}, {transform_indices = @transform_1, window_bounds = array<i64: 32, 4096>}, {pipeline_mode = #tpu.pipeline_mode<synchronous>, transform_indices = @transform_2, window_bounds = array<i64: 32, 64>}, {transform_indices = @transform_3, window_bounds = array<i64: 16, 4096>}, {transform_indices = @transform_4, window_bounds = array<i64: 16, 4096>}, {pipeline_mode = #tpu.pipeline_mode<synchronous>, transform_indices = @transform_5, window_bounds = array<i64: 16, 64>}, {transform_indices = @transform_6, window_bounds = array<i64: 4096, 128>}, {pipeline_mode = #tpu.pipeline_mode<synchronous>, transform_indices = @transform_7, window_bounds = array<i64: 4096, 128>}]} {
    %lt3A = arith.constant 2 : i32
    %lt3A_0 = arith.cmpi slt, %arg0, %lt3A : i32
    %convert_element_type3A = arith.extui %lt3A_0 : i1 to i32
    %cond3A = arith.constant 0 : i32
    %cond3A_1 = arith.cmpi ne, %convert_element_type3A, %cond3A : i32
    scf.if %cond3A_1 {
      %get3A = arith.constant 0 : index
      %get3A_6 = arith.constant 0 : index
      %get3A_7 = vector.load %arg1[%get3A, %get3A_6] : memref<32x4096xf32, #tpu.memory_space<vmem>>, vector<32x4096xf32>
      %convert_element_type3A_8 = arith.truncf %get3A_7 : vector<32x4096xf32> to vector<32x4096xbf16>
      %get3A_9 = arith.constant 0 : index
      %get3A_10 = arith.constant 0 : index
      %get3A_11 = vector.load %arg3[%get3A_9, %get3A_10] : memref<32x64xf32, #tpu.memory_space<vmem>>, vector<32x64xf32>
      %convert_element_type3A_12 = arith.truncf %get3A_11 : vector<32x64xf32> to vector<32x64xbf16>
      %dot_general3A = arith.constant dense<0.000000e+00> : vector<4096x64xf32>
      %dot_general3A_13 = tpu.matmul %convert_element_type3A_8, %convert_element_type3A_12, %dot_general3A {dimension_numbers = #tpu.dot_dimension_numbers<[0], [0], [1], [1], [0, 1, 1, 1], [], []>, transpose_lhs_hint = false} : vector<32x4096xbf16>, vector<32x64xbf16>, vector<4096x64xf32> -> vector<4096x64xf32>
      %get3A_14 = arith.constant 0 : index
      %get3A_15 = arith.constant 0 : index
      %get3A_16 = vector.load %arg2[%get3A_14, %get3A_15] : memref<32x4096xf32, #tpu.memory_space<vmem>>, vector<32x4096xf32>
      %convert_element_type3A_17 = arith.truncf %get3A_16 : vector<32x4096xf32> to vector<32x4096xbf16>
      %get3A_18 = arith.constant 0 : index
      %get3A_19 = arith.constant 0 : index
      %get3A_20 = vector.load %arg3[%get3A_18, %get3A_19] : memref<32x64xf32, #tpu.memory_space<vmem>>, vector<32x64xf32>
      %convert_element_type3A_21 = arith.truncf %get3A_20 : vector<32x64xf32> to vector<32x64xbf16>
      %dot_general3A_22 = arith.constant dense<0.000000e+00> : vector<4096x64xf32>
      %dot_general3A_23 = tpu.matmul %convert_element_type3A_17, %convert_element_type3A_21, %dot_general3A_22 {dimension_numbers = #tpu.dot_dimension_numbers<[0], [0], [1], [1], [0, 1, 1, 1], [], []>, transpose_lhs_hint = false} : vector<32x4096xbf16>, vector<32x64xbf16>, vector<4096x64xf32> -> vector<4096x64xf32>
      %concatenate3A = tpu.concatenate %dot_general3A_13, %dot_general3A_23 in 1 : vector<4096x64xf32>, vector<4096x64xf32> -> vector<4096x128xf32>
      %swap3A = arith.constant 0 : index
      %swap3A_24 = arith.constant 0 : index
      %swap3A_25 = vector.load %arg7[%swap3A, %swap3A_24] : memref<4096x128xf32, #tpu.memory_space<vmem>>, vector<4096x128xf32>
      tpu.vector_store %arg7[%swap3A, %swap3A_24], %concatenate3A {strides = array<i32>} : memref<4096x128xf32, #tpu.memory_space<vmem>>, vector<4096x128xf32>,
    } else {
    }
    %eq3A = arith.constant 2 : i32
    %eq3A_2 = arith.cmpi eq, %arg0, %eq3A : i32
    %convert_element_type3A_3 = arith.extui %eq3A_2 : i1 to i32
    %cond3A_4 = arith.constant 0 : i32
    %cond3A_5 = arith.cmpi ne, %convert_element_type3A_3, %cond3A_4 : i32
    scf.if %cond3A_5 {
      %get3A = arith.constant 0 : index
      %get3A_6 = arith.constant 0 : index
      %get3A_7 = vector.load %arg4[%get3A, %get3A_6] : memref<16x4096xf32, #tpu.memory_space<vmem>>, vector<16x4096xf32>
      %convert_element_type3A_8 = arith.truncf %get3A_7 : vector<16x4096xf32> to vector<16x4096xbf16>
      %get3A_9 = arith.constant 0 : index
      %get3A_10 = arith.constant 0 : index
      %get3A_11 = vector.load %arg6[%get3A_9, %get3A_10] : memref<16x64xf32, #tpu.memory_space<vmem>>, vector<16x64xf32>
      %convert_element_type3A_12 = arith.truncf %get3A_11 : vector<16x64xf32> to vector<16x64xbf16>
      %dot_general3A = arith.constant dense<0.000000e+00> : vector<4096x64xf32>
      %dot_general3A_13 = tpu.matmul %convert_element_type3A_8, %convert_element_type3A_12, %dot_general3A {dimension_numbers = #tpu.dot_dimension_numbers<[0], [0], [1], [1], [0, 1, 1, 1], [], []>, transpose_lhs_hint = false} : vector<16x4096xbf16>, vector<16x64xbf16>, vector<4096x64xf32> -> vector<4096x64xf32>
      %get3A_14 = arith.constant 0 : index
      %get3A_15 = arith.constant 0 : index
      %get3A_16 = vector.load %arg5[%get3A_14, %get3A_15] : memref<16x4096xf32, #tpu.memory_space<vmem>>, vector<16x4096xf32>
      %convert_element_type3A_17 = arith.truncf %get3A_16 : vector<16x4096xf32> to vector<16x4096xbf16>
      %get3A_18 = arith.constant 0 : index
      %get3A_19 = arith.constant 0 : index
      %get3A_20 = vector.load %arg6[%get3A_18, %get3A_19] : memref<16x64xf32, #tpu.memory_space<vmem>>, vector<16x64xf32>
      %convert_element_type3A_21 = arith.truncf %get3A_20 : vector<16x64xf32> to vector<16x64xbf16>
      %dot_general3A_22 = arith.constant dense<0.000000e+00> : vector<4096x64xf32>
      %dot_general3A_23 = tpu.matmul %convert_element_type3A_17, %convert_element_type3A_21, %dot_general3A_22 {dimension_numbers = #tpu.dot_dimension_numbers<[0], [0], [1], [1], [0, 1, 1, 1], [], []>, transpose_lhs_hint = false} : vector<16x4096xbf16>, vector<16x64xbf16>, vector<4096x64xf32> -> vector<4096x64xf32>
      %concatenate3A = tpu.concatenate %dot_general3A_13, %dot_general3A_23 in 1 : vector<4096x64xf32>, vector<4096x64xf32> -> vector<4096x128xf32>
      %swap3A = arith.constant 0 : index
      %swap3A_24 = arith.constant 0 : index
      %swap3A_25 = vector.load %arg8[%swap3A, %swap3A_24] : memref<4096x128xf32, #tpu.memory_space<vmem>>, vector<4096x128xf32>
      tpu.vector_store %arg8[%swap3A, %swap3A_24], %concatenate3A {strides = array<i32>} : memref<4096x128xf32, #tpu.memory_space<vmem>>, vector<4096x128xf32>,
    } else {
    }
    return
  }
  func.func @transform_0(%arg0: i32) -> (i32, i32) {
    %mul3A = arith.constant 2 : i32
    %mul3A_0 = arith.muli %mul3A, %arg0 : i32
    %min3A = arith.constant 2 : i32
    %min3A_1 = arith.minsi %mul3A_0, %min3A : i32
    %c0_i32 = arith.constant 0 : i32
    %c0_i32_2 = arith.constant 0 : i32
    return %c0_i32, %min3A_1 : i32, i32
  }
  func.func @transform_1(%arg0: i32) -> (i32, i32) {
    %mul3A = arith.constant 2 : i32
    %mul3A_0 = arith.muli %mul3A, %arg0 : i32
    %add3A = arith.constant 1 : i32
    %add3A_1 = arith.addi %mul3A_0, %add3A : i32
    %min3A = arith.constant 2 : i32
    %min3A_2 = arith.minsi %add3A_1, %min3A : i32
    %c0_i32 = arith.constant 0 : i32
    %c0_i32_3 = arith.constant 0 : i32
    return %c0_i32, %min3A_2 : i32, i32
  }
  func.func @transform_2(%arg0: i32) -> (i32, i32) {
    %c0_i32 = arith.constant 0 : i32
    %c0_i32_0 = arith.constant 0 : i32
    %c0_i32_1 = arith.constant 0 : i32
    return %c0_i32, %c0_i32_0 : i32, i32
  }
  func.func @transform_3(%arg0: i32) -> (i32, i32) {
    %c0_i32 = arith.constant 0 : i32
    %c0_i32_0 = arith.constant 0 : i32
    %c0_i32_1 = arith.constant 0 : i32
    return %c0_i32, %c0_i32_0 : i32, i32
  }
  func.func @transform_4(%arg0: i32) -> (i32, i32) {
    %c0_i32 = arith.constant 0 : i32
    %c0_i32_0 = arith.constant 0 : i32
    %c0_i32_1 = arith.constant 0 : i32
    return %c0_i32, %c0_i32_0 : i32, i32
  }
  func.func @transform_5(%arg0: i32) -> (i32, i32) {
    %c0_i32 = arith.constant 0 : i32
    %c0_i32_0 = arith.constant 0 : i32
    %c0_i32_1 = arith.constant 0 : i32
    return %c0_i32, %c0_i32_0 : i32, i32
  }
  func.func @transform_6(%arg0: i32) -> (i32, i32) {
    %min3A = arith.constant 1 : i32
    %min3A_0 = arith.minsi %arg0, %min3A : i32
    %c0_i32 = arith.constant 0 : i32
    %c0_i32_1 = arith.constant 0 : i32
    return %min3A_0, %c0_i32 : i32, i32
  }
  func.func @transform_7(%arg0: i32) -> (i32, i32) {
    %c0_i32 = arith.constant 0 : i32
    %c0_i32_0 = arith.constant 0 : i32
    %c0_i32_1 = arith.constant 0 : i32
    return %c0_i32, %c0_i32_0 : i32, i32
  }
}

module attributes {stable_mosaic.version = 14 : i64} {
  func.func @_tc_body(%arg0: i32, %arg1: memref<2048x128xf32, #tpu.memory_space<vmem>>, %arg2: memref<2048x128xf32, #tpu.memory_space<vmem>>, %arg3: memref<2048x128xf32, #tpu.memory_space<vmem>>, %arg4: memref<2048xi32, #tpu.memory_space<vmem>>, %arg5: memref<2048xi32, #tpu.memory_space<vmem>>, %arg6: memref<2048xi32, #tpu.memory_space<vmem>>, %arg7: memref<2048xf32, #tpu.memory_space<vmem>>, %arg8: memref<64x1xf32, #tpu.memory_space<vmem>>, %arg9: memref<16x16xf32, #tpu.memory_space<vmem>>, %arg10: memref<256x16xf32, #tpu.memory_space<vmem>>, %arg11: memref<16x1xf32, #tpu.memory_space<vmem>>, %arg12: memref<1x16xf32, #tpu.memory_space<vmem>>, %arg13: memref<16x1xf32, #tpu.memory_space<vmem>>, %arg14: memref<96x2048xf32, #tpu.memory_space<vmem>>) attributes {dimension_semantics = [#tpu.dimension_semantics<arbitrary>], iteration_bounds = array<i64: 8>, scalar_prefetch = 0 : i64, scratch_operands = 0 : i64, tpu.core_type = #tpu.core_type<tc>, window_params = [{transform_indices = @transform_0, window_bounds = array<i64: 2048, 128>}, {transform_indices = @transform_1, window_bounds = array<i64: 2048, 128>}, {transform_indices = @transform_2, window_bounds = array<i64: 2048, 128>}, {transform_indices = @transform_3, window_bounds = array<i64: 2048>}, {transform_indices = @transform_4, window_bounds = array<i64: 2048>}, {transform_indices = @transform_5, window_bounds = array<i64: 2048>}, {transform_indices = @transform_6, window_bounds = array<i64: 2048>}, {pipeline_mode = #tpu.pipeline_mode<synchronous>, transform_indices = @transform_7, window_bounds = array<i64: 64, 1>}, {pipeline_mode = #tpu.pipeline_mode<synchronous>, transform_indices = @transform_8, window_bounds = array<i64: 16, 16>}, {pipeline_mode = #tpu.pipeline_mode<synchronous>, transform_indices = @transform_9, window_bounds = array<i64: 256, 16>}, {pipeline_mode = #tpu.pipeline_mode<synchronous>, transform_indices = @transform_10, window_bounds = array<i64: 16, 1>}, {pipeline_mode = #tpu.pipeline_mode<synchronous>, transform_indices = @transform_11, window_bounds = array<i64: 1, 16>}, {pipeline_mode = #tpu.pipeline_mode<synchronous>, transform_indices = @transform_12, window_bounds = array<i64: 16, 1>}, {transform_indices = @transform_13, window_bounds = array<i64: 96, 2048>}]} {
    %get3A = arith.constant 0 : index
    %get3A_0 = vector.load %arg4[%get3A] : memref<2048xi32, #tpu.memory_space<vmem>>, vector<2048xi32>
    %broadcast_in_dim3A = vector.shape_cast %get3A_0 : vector<2048xi32> to vector<1x2048xi32>
    %get3A_1 = arith.constant 0 : index
    %get3A_2 = arith.constant 0 : index
    %get3A_3 = vector.load %arg1[%get3A_1, %get3A_2] : memref<2048x128xf32, #tpu.memory_space<vmem>>, vector<2048x128xf32>
    %transpose3A = tpu.transpose %get3A_3, [1, 0] : vector<2048x128xf32> -> vector<128x2048xf32>
    %get3A_4 = arith.constant 0 : index
    %get3A_5 = arith.constant 0 : index
    %get3A_6 = vector.load %arg2[%get3A_4, %get3A_5] : memref<2048x128xf32, #tpu.memory_space<vmem>>, vector<2048x128xf32>
    %transpose3A_7 = tpu.transpose %get3A_6, [1, 0] : vector<2048x128xf32> -> vector<128x2048xf32>
    %get3A_8 = arith.constant 0 : index
    %get3A_9 = arith.constant 0 : index
    %get3A_10 = vector.load %arg3[%get3A_8, %get3A_9] : memref<2048x128xf32, #tpu.memory_space<vmem>>, vector<2048x128xf32>
    %transpose3A_11 = tpu.transpose %get3A_10, [1, 0] : vector<2048x128xf32> -> vector<128x2048xf32>
    %and3A = arith.constant 1 : i32
    %and3A_12 = vector.broadcast %and3A : i32 to vector<1x2048xi32>
    %and3A_13 = arith.andi %broadcast_in_dim3A, %and3A_12 : vector<1x2048xi32>
    %gt3A = arith.constant 0 : i32
    %gt3A_14 = vector.broadcast %gt3A : i32 to vector<1x2048xi32>
    %gt3A_15 = arith.cmpi sgt, %and3A_13, %gt3A_14 : vector<1x2048xi32>
    %slice3A = vector.extract_strided_slice %transpose3A {offsets = [64, 0], sizes = [64, 2048], strides = [1, 1]} : vector<128x2048xf32> to vector<64x2048xf32>
    %slice3A_16 = vector.extract_strided_slice %transpose3A {offsets = [0, 0], sizes = [64, 2048], strides = [1, 1]} : vector<128x2048xf32> to vector<64x2048xf32>
    %broadcast_in_dim3A_17 = vector.shape_cast %gt3A_15 : vector<1x2048xi1> to vector<1x2048xi1>
    %broadcast_in_dim3A_18 = vector.broadcast %broadcast_in_dim3A_17 : vector<1x2048xi1> to vector<64x2048xi1>
    %select_n3A = arith.select %broadcast_in_dim3A_18, %slice3A, %slice3A_16 : vector<64x2048xi1>, vector<64x2048xf32>
    %and3A_19 = arith.constant 2 : i32
    %and3A_20 = vector.broadcast %and3A_19 : i32 to vector<1x2048xi32>
    %and3A_21 = arith.andi %broadcast_in_dim3A, %and3A_20 : vector<1x2048xi32>
    %gt3A_22 = arith.constant 0 : i32
    %gt3A_23 = vector.broadcast %gt3A_22 : i32 to vector<1x2048xi32>
    %gt3A_24 = arith.cmpi sgt, %and3A_21, %gt3A_23 : vector<1x2048xi32>
    %slice3A_25 = vector.extract_strided_slice %transpose3A_7 {offsets = [64, 0], sizes = [64, 2048], strides = [1, 1]} : vector<128x2048xf32> to vector<64x2048xf32>
    %slice3A_26 = vector.extract_strided_slice %transpose3A_7 {offsets = [0, 0], sizes = [64, 2048], strides = [1, 1]} : vector<128x2048xf32> to vector<64x2048xf32>
    %broadcast_in_dim3A_27 = vector.shape_cast %gt3A_24 : vector<1x2048xi1> to vector<1x2048xi1>
    %broadcast_in_dim3A_28 = vector.broadcast %broadcast_in_dim3A_27 : vector<1x2048xi1> to vector<64x2048xi1>
    %select_n3A_29 = arith.select %broadcast_in_dim3A_28, %slice3A_25, %slice3A_26 : vector<64x2048xi1>, vector<64x2048xf32>
    %add3A = arith.addf %select_n3A, %select_n3A_29 : vector<64x2048xf32>
    %and3A_30 = arith.constant 4 : i32
    %and3A_31 = vector.broadcast %and3A_30 : i32 to vector<1x2048xi32>
    %and3A_32 = arith.andi %broadcast_in_dim3A, %and3A_31 : vector<1x2048xi32>
    %gt3A_33 = arith.constant 0 : i32
    %gt3A_34 = vector.broadcast %gt3A_33 : i32 to vector<1x2048xi32>
    %gt3A_35 = arith.cmpi sgt, %and3A_32, %gt3A_34 : vector<1x2048xi32>
    %slice3A_36 = vector.extract_strided_slice %transpose3A_11 {offsets = [64, 0], sizes = [64, 2048], strides = [1, 1]} : vector<128x2048xf32> to vector<64x2048xf32>
    %slice3A_37 = vector.extract_strided_slice %transpose3A_11 {offsets = [0, 0], sizes = [64, 2048], strides = [1, 1]} : vector<128x2048xf32> to vector<64x2048xf32>
    %broadcast_in_dim3A_38 = vector.shape_cast %gt3A_35 : vector<1x2048xi1> to vector<1x2048xi1>
    %broadcast_in_dim3A_39 = vector.broadcast %broadcast_in_dim3A_38 : vector<1x2048xi1> to vector<64x2048xi1>
    %select_n3A_40 = arith.select %broadcast_in_dim3A_39, %slice3A_36, %slice3A_37 : vector<64x2048xi1>, vector<64x2048xf32>
    %add3A_41 = arith.addf %add3A, %select_n3A_40 : vector<64x2048xf32>
    %get3A_42 = arith.constant 0 : index
    %get3A_43 = arith.constant 0 : index
    %get3A_44 = vector.load %arg8[%get3A_42, %get3A_43] : memref<64x1xf32, #tpu.memory_space<vmem>>, vector<64x1xf32>
    %add3A_45 = vector.broadcast %get3A_44 : vector<64x1xf32> to vector<64x2048xf32>
    %add3A_46 = arith.addf %add3A_41, %add3A_45 : vector<64x2048xf32>
    %max3A = arith.constant 0.000000e+00 : f32
    %max3A_47 = vector.broadcast %max3A : f32 to vector<64x2048xf32>
    %max3A_48 = arith.maximumf %add3A_46, %max3A_47 : vector<64x2048xf32>
    %get3A_49 = arith.constant 0 : index
    %get3A_50 = vector.load %arg5[%get3A_49] : memref<2048xi32, #tpu.memory_space<vmem>>, vector<2048xi32>
    %broadcast_in_dim3A_51 = vector.shape_cast %get3A_50 : vector<2048xi32> to vector<1x2048xi32>
    %get3A_52 = arith.constant 0 : index
    %get3A_53 = vector.load %arg6[%get3A_52] : memref<2048xi32, #tpu.memory_space<vmem>>, vector<2048xi32>
    %broadcast_in_dim3A_54 = vector.shape_cast %get3A_53 : vector<2048xi32> to vector<1x2048xi32>
    %iota3A = tpu.iota {dimensions = array<i32: 0>} : vector<16x2048xi32>
    %eq3A = vector.broadcast %broadcast_in_dim3A_51 : vector<1x2048xi32> to vector<16x2048xi32>
    %eq3A_55 = arith.cmpi eq, %iota3A, %eq3A : vector<16x2048xi32>
    %convert_element_type3A = arith.extui %eq3A_55 : vector<16x2048xi1> to vector<16x2048xi32>
    %convert_element_type3A_56 = arith.sitofp %convert_element_type3A : vector<16x2048xi32> to vector<16x2048xf32>
    %iota3A_57 = tpu.iota {dimensions = array<i32: 0>} : vector<256x2048xi32>
    %eq3A_58 = vector.broadcast %broadcast_in_dim3A_54 : vector<1x2048xi32> to vector<256x2048xi32>
    %eq3A_59 = arith.cmpi eq, %iota3A_57, %eq3A_58 : vector<256x2048xi32>
    %convert_element_type3A_60 = arith.extui %eq3A_59 : vector<256x2048xi1> to vector<256x2048xi32>
    %convert_element_type3A_61 = arith.sitofp %convert_element_type3A_60 : vector<256x2048xi32> to vector<256x2048xf32>
    %get3A_62 = arith.constant 0 : index
    %get3A_63 = arith.constant 0 : index
    %get3A_64 = vector.load %arg9[%get3A_62, %get3A_63] : memref<16x16xf32, #tpu.memory_space<vmem>>, vector<16x16xf32>
    %dot_general3A = arith.constant dense<0.000000e+00> : vector<16x2048xf32>
    %dot_general3A_65 = tpu.matmul %get3A_64, %convert_element_type3A_56, %dot_general3A {dimension_numbers = #tpu.dot_dimension_numbers<[0], [0], [1], [1], [0, 1, 1, 1], [], []>, transpose_lhs_hint = false} : vector<16x16xf32>, vector<16x2048xf32>, vector<16x2048xf32> -> vector<16x2048xf32>
    %get3A_66 = arith.constant 0 : index
    %get3A_67 = arith.constant 0 : index
    %get3A_68 = vector.load %arg10[%get3A_66, %get3A_67] : memref<256x16xf32, #tpu.memory_space<vmem>>, vector<256x16xf32>
    %dot_general3A_69 = arith.constant dense<0.000000e+00> : vector<16x2048xf32>
    %dot_general3A_70 = tpu.matmul %get3A_68, %convert_element_type3A_61, %dot_general3A_69 {dimension_numbers = #tpu.dot_dimension_numbers<[0], [0], [1], [1], [0, 1, 1, 1], [], []>, transpose_lhs_hint = false} : vector<256x16xf32>, vector<256x2048xf32>, vector<16x2048xf32> -> vector<16x2048xf32>
    %add3A_71 = arith.addf %dot_general3A_65, %dot_general3A_70 : vector<16x2048xf32>
    %get3A_72 = arith.constant 0 : index
    %get3A_73 = arith.constant 0 : index
    %get3A_74 = vector.load %arg11[%get3A_72, %get3A_73] : memref<16x1xf32, #tpu.memory_space<vmem>>, vector<16x1xf32>
    %add3A_75 = vector.broadcast %get3A_74 : vector<16x1xf32> to vector<16x2048xf32>
    %add3A_76 = arith.addf %add3A_71, %add3A_75 : vector<16x2048xf32>
    %max3A_77 = arith.constant 0.000000e+00 : f32
    %max3A_78 = vector.broadcast %max3A_77 : f32 to vector<16x2048xf32>
    %max3A_79 = arith.maximumf %add3A_76, %max3A_78 : vector<16x2048xf32>
    %get3A_80 = arith.constant 0 : index
    %get3A_81 = vector.load %arg7[%get3A_80] : memref<2048xf32, #tpu.memory_space<vmem>>, vector<2048xf32>
    %broadcast_in_dim3A_82 = vector.shape_cast %get3A_81 : vector<2048xf32> to vector<1x2048xf32>
    %get3A_83 = arith.constant 0 : index
    %get3A_84 = arith.constant 0 : index
    %get3A_85 = vector.load %arg12[%get3A_83, %get3A_84] : memref<1x16xf32, #tpu.memory_space<vmem>>, vector<1x16xf32>
    %dot_general3A_86 = arith.constant dense<0.000000e+00> : vector<16x2048xf32>
    %dot_general3A_87 = tpu.matmul %get3A_85, %broadcast_in_dim3A_82, %dot_general3A_86 {dimension_numbers = #tpu.dot_dimension_numbers<[0], [0], [1], [1], [0, 1, 1, 1], [], []>, transpose_lhs_hint = false} : vector<1x16xf32>, vector<1x2048xf32>, vector<16x2048xf32> -> vector<16x2048xf32>
    %get3A_88 = arith.constant 0 : index
    %get3A_89 = arith.constant 0 : index
    %get3A_90 = vector.load %arg13[%get3A_88, %get3A_89] : memref<16x1xf32, #tpu.memory_space<vmem>>, vector<16x1xf32>
    %add3A_91 = vector.broadcast %get3A_90 : vector<16x1xf32> to vector<16x2048xf32>
    %add3A_92 = arith.addf %dot_general3A_87, %add3A_91 : vector<16x2048xf32>
    %max3A_93 = arith.constant 0.000000e+00 : f32
    %max3A_94 = vector.broadcast %max3A_93 : f32 to vector<16x2048xf32>
    %max3A_95 = arith.maximumf %add3A_92, %max3A_94 : vector<16x2048xf32>
    %concatenate3A = tpu.concatenate %max3A_48, %max3A_79, %max3A_95 in 0 : vector<64x2048xf32>, vector<16x2048xf32>, vector<16x2048xf32> -> vector<96x2048xf32>
    %swap3A = arith.constant 0 : index
    %swap3A_96 = arith.constant 0 : index
    %swap3A_97 = vector.load %arg14[%swap3A, %swap3A_96] : memref<96x2048xf32, #tpu.memory_space<vmem>>, vector<96x2048xf32>
    tpu.vector_store %arg14[%swap3A, %swap3A_96], %concatenate3A {strides = array<i32>} : memref<96x2048xf32, #tpu.memory_space<vmem>>, vector<96x2048xf32>,
    return
  }
  func.func @transform_0(%arg0: i32) -> (i32, i32) {
    %c0_i32 = arith.constant 0 : i32
    %c0_i32_0 = arith.constant 0 : i32
    return %arg0, %c0_i32 : i32, i32
  }
  func.func @transform_1(%arg0: i32) -> (i32, i32) {
    %c0_i32 = arith.constant 0 : i32
    %c0_i32_0 = arith.constant 0 : i32
    return %arg0, %c0_i32 : i32, i32
  }
  func.func @transform_2(%arg0: i32) -> (i32, i32) {
    %c0_i32 = arith.constant 0 : i32
    %c0_i32_0 = arith.constant 0 : i32
    return %arg0, %c0_i32 : i32, i32
  }
  func.func @transform_3(%arg0: i32) -> i32 {
    %c0_i32 = arith.constant 0 : i32
    return %arg0 : i32
  }
  func.func @transform_4(%arg0: i32) -> i32 {
    %c0_i32 = arith.constant 0 : i32
    return %arg0 : i32
  }
  func.func @transform_5(%arg0: i32) -> i32 {
    %c0_i32 = arith.constant 0 : i32
    return %arg0 : i32
  }
  func.func @transform_6(%arg0: i32) -> i32 {
    %c0_i32 = arith.constant 0 : i32
    return %arg0 : i32
  }
  func.func @transform_7(%arg0: i32) -> (i32, i32) {
    %c0_i32 = arith.constant 0 : i32
    %c0_i32_0 = arith.constant 0 : i32
    %c0_i32_1 = arith.constant 0 : i32
    return %c0_i32, %c0_i32_0 : i32, i32
  }
  func.func @transform_8(%arg0: i32) -> (i32, i32) {
    %c0_i32 = arith.constant 0 : i32
    %c0_i32_0 = arith.constant 0 : i32
    %c0_i32_1 = arith.constant 0 : i32
    return %c0_i32, %c0_i32_0 : i32, i32
  }
  func.func @transform_9(%arg0: i32) -> (i32, i32) {
    %c0_i32 = arith.constant 0 : i32
    %c0_i32_0 = arith.constant 0 : i32
    %c0_i32_1 = arith.constant 0 : i32
    return %c0_i32, %c0_i32_0 : i32, i32
  }
  func.func @transform_10(%arg0: i32) -> (i32, i32) {
    %c0_i32 = arith.constant 0 : i32
    %c0_i32_0 = arith.constant 0 : i32
    %c0_i32_1 = arith.constant 0 : i32
    return %c0_i32, %c0_i32_0 : i32, i32
  }
  func.func @transform_11(%arg0: i32) -> (i32, i32) {
    %c0_i32 = arith.constant 0 : i32
    %c0_i32_0 = arith.constant 0 : i32
    %c0_i32_1 = arith.constant 0 : i32
    return %c0_i32, %c0_i32_0 : i32, i32
  }
  func.func @transform_12(%arg0: i32) -> (i32, i32) {
    %c0_i32 = arith.constant 0 : i32
    %c0_i32_0 = arith.constant 0 : i32
    %c0_i32_1 = arith.constant 0 : i32
    return %c0_i32, %c0_i32_0 : i32, i32
  }
  func.func @transform_13(%arg0: i32) -> (i32, i32) {
    %c0_i32 = arith.constant 0 : i32
    %c0_i32_0 = arith.constant 0 : i32
    return %c0_i32, %arg0 : i32, i32
  }
}

</mosaic_0001>

<sc_bundles>
// kernel: kernel.10.cloned.1.call-start
scs
__scs_entry_jumppad:
0x0: {  	(pc) =	sbr.rel $0x88, $3  }
0x1: {  	(tag) =	ssettag $0x0;
	lr =	simm.s32 $0x1  }
0x2: {  	[smem:$0x3F92] =	sst lr;
	_ =	strace $0xD0000000  }
0x3: {  	_ = 	snop  }
0x4: {  	_ = 	snop  }
0x5: {  	_ = 	snop  }
0x6: {  	_ = 	snop  }
0x7: {  	_ = 	snop  }
__scs_overlays_trampoline_lowered:
0x8: {  	[smem:$0x3FA1] =	sst s0  }
0x9: {  	[smem:$0x3FA2] =	sst s1  }
0xa: {  	[smem:$0x3FA3] =	sst s2  }
0xb: {  	[smem:$0x3FA4] =	sst s3  }
0xc: {  	[smem:$0x3FA5] =	sst s4  }
0xd: {  	[smem:$0x3FA6] =	sst s5  }
0xe: {  	[smem:$0x3FA7] =	sst s6  }
0xf: {  	[smem:$0x3FA8] =	sst s7  }
0x10: {  	[smem:$0x3FA9] =	sst s8  }
0x11: {  	[smem:$0x3FAA] =	sst s9;
	s0 =	simm.s32 @!p0 $0x0  }
0x12: {  	s1 =	sld [smem:$0x3F90];
	s0 =	simm.s32 @p0 $0x1  }
0x13: {  	[smem:$0x3FAB] =	sst s0;
	s0 =	simm.s32 @!p1 $0x0  }
0x14: {  	s2 =	sld [smem:$0x3F8F];
	s0 =	simm.s32 @p1 $0x1  }
0x15: {  	[smem:$0x3FAC] =	sst s0;
	s0 =	simm.s32 @!p2 $0x0  }
0x16: {  	s3 =	sld [smem:$0x3FDB];
	s0 =	simm.s32 @p2 $0x1  }
0x17: {  	s4 =	simm.s32 $0x1BF5;
	[smem:$0x3FAE] =	sst s0  }
0x18: {  	s0 =	sld [smem:$0x3F91];
	_ =	swait.ge [sflag:s4], $0x0  }
0x19: {  	s7 =	sld [smem:$0x3F92]  }
0x1a: {  	s8 =	sadd.s32 $0xFFFFE003, lr  }
0x1b: {  	s9 =	sadd.s32 $0xFFFFFEF7, lr;
	s5 =	simm.s32 $0xFFFFFFFF;
	p2 =	slt.u32 s8, $0xFFFFF086  }
0x1c: {  	p1 =	slt.u32 s9, $0xF7A;
	s5 =	simm.s32 @!p2 $0x0  }
0x1d: {  	s5 =	simm.s32 @p1 $0x1;
	p0 =	seq.s32 s7, s2  }
0x1e: {  	s7 =	smul.u32 @!p0 $0xF7A, s2;
	p2 =	seq.s32 @!p0 s5, $0x0  }
0x1f: {  	s9 =	smul.u32 $0xF7A, s1;
	s8 =	simm.s32 @!p0 $0x1BF5;
	p2 =	por !p2, p0  }
0x20: {  	[sflag:s8] =	ssyncset.s32 @!p0 $0xFFFFF086;
	s6 =	sadd.s32 @!p0 s3, s7;
	s7 =	simm.s32 @!p0 $0x108  }
0x21: {  	s3 =	sadd.s32 s3, s9;
	s6 =	sadd.s32 @!p0 $0x88, s6;
	s7 =	simm.s32 @p2 $0x1082  }
0x22: {  	[simem:s7], [sflag:s8] =	dma.local @!p0 [hbm:s6], $0xF7A  }
0x23: {  	s9 =	sor.u32 $0xD0000000, s2;
	s6 =	simm.s32 $0x108;
	_ =	swait.ge @!p0 [sflag:s8], $0x0  }
0x24: {  	s3 =	sadd.s32 $0x88, s3;
	s6 =	simm.s32 @!p1 $0x1082;
	[sflag:s4] =	ssyncset.s32 $0xFFFFF086  }
0x25: {  	[simem:s6], [sflag:s4] =	dma.local [hbm:s3], $0xF7A  }
0x26: {  	[smem:$0x3F92] =	sst s1;
	(tag) =	ssettag s2;
	_ =	strace s9  }
0x27: {  	s1 =	sld [smem:$0x3FA2]  }
0x28: {  	s2 =	sld [smem:$0x3FA3]  }
0x29: {  	s4 =	sld [smem:$0x3FA5]  }
0x2a: {  	p0 =	seq.s32 s5, $0x0;
	s5 =	sld [smem:$0x3FA6]  }
0x2b: {  	s6 =	sld [smem:$0x3FA7]  }
0x2c: {  	s7 =	sld [smem:$0x3FA8]  }
0x2d: {  	s3 =	simm.s32 $0x108;
	s8 =	sld [smem:$0x3FA9]  }
0x2e: {  	s3 =	simm.s32 @!p0 $0x1082;
	s9 =	sld [smem:$0x3FAA]  }
0x2f: {  	lr =	sadd.s32 s0, s3;
	s0 =	sld [smem:$0x3FA1]  }
0x30: {  	s3 =	sld [smem:$0x3FA4]  }
0x31: {  	[smem:$0x3FAD] =	sst s10  }
0x32: {  	s10 =	sld [smem:$0x3FAB];
	_ =	sdelay $0x3  }
0x33: {  	p0 =	seq.s32 s10, $0x1;
	s10 =	sld [smem:$0x3FAD];
	_ =	sdelay $0x3  }
0x34: {  	[smem:$0x3FAD] =	sst s10  }
0x35: {  	s10 =	sld [smem:$0x3FAC];
	_ =	sdelay $0x3  }
0x36: {  	p1 =	seq.s32 s10, $0x1;
	s10 =	sld [smem:$0x3FAD];
	_ =	sdelay $0x3  }
0x37: {  	[smem:$0x3FAD] =	sst s10  }
0x38: {  	s10 =	sld [smem:$0x3FAE]  }
0x39: {  	_ = 	snop;
	(pc) =	sbr.ind lr, $3  }
0x3a: {  	_ = 	snop  }
0x3b: {  	_ = 	snop  }
0x3c: {  	p2 =	seq.s32 s10, $0x1;
	s10 =	sld [smem:$0x3FAD]  }
0x3d: {  	_ =	shalt  }
0x3e: {  	_ =	shalt  }
0x3f: {  	_ =	shalt  }
0x40: {  	_ =	shalt  }
0x41: {  	_ =	shalt  }
0x42: {  	_ =	shalt  }
0x43: {  	_ =	shalt  }
0x44: {  	_ =	shalt  }
0x45: {  	_ =	shalt  }
0x46: {  	_ =	shalt  }
0x47: {  	_ =	shalt  }
0x48: {  	_ =	shalt  }
0x49: {  	_ =	shalt  }
0x4a: {  	_ =	shalt  }
0x4b: {  	_ =	shalt  }
0x4c: {  	_ =	shalt  }
0x4d: {  	_ =	shalt  }
0x4e: {  	_ =	shalt  }
0x4f: {  	_ =	shalt  }
0x50: {  	_ =	shalt  }
0x51: {  	_ =	shalt  }
0x52: {  	_ =	shalt  }
0x53: {  	_ =	shalt  }
0x54: {  	_ =	shalt  }
0x55: {  	_ =	shalt  }
0x56: {  	_ =	shalt  }
0x57: {  	_ =	shalt  }
0x58: {  	_ =	shalt  }
0x59: {  	_ =	shalt  }
0x5a: {  	_ =	shalt  }
0x5b: {  	_ =	shalt  }
0x5c: {  	_ =	shalt  }
0x5d: {  	_ =	shalt  }
0x5e: {  	_ =	shalt  }
0x5f: {  	_ =	shalt  }
0x60: {  	_ =	shalt  }
0x61: {  	_ =	shalt  }
0x62: {  	_ =	shalt  }
0x63: {  	_ =	shalt  }
0x64: {  	_ =	shalt  }
0x65: {  	_ =	shalt  }
0x66: {  	_ =	shalt  }
0x67: {  	_ =	shalt  }
0x68: {  	_ =	shalt  }
0x69: {  	_ =	shalt  }
0x6a: {  	_ =	shalt  }
0x6b: {  	_ =	shalt  }
0x6c: {  	_ =	shalt  }
0x6d: {  	_ =	shalt  }
0x6e: {  	_ =	shalt  }
0x6f: {  	_ =	shalt  }
0x70: {  	_ =	shalt  }
0x71: {  	_ =	shalt  }
0x72: {  	_ =	shalt  }
0x73: {  	_ =	shalt  }
0x74: {  	_ =	shalt  }
0x75: {  	_ =	shalt  }
0x76: {  	_ =	shalt  }
0x77: {  	_ =	shalt  }
0x78: {  	_ =	shalt  }
0x79: {  	_ =	shalt  }
0x7a: {  	_ =	shalt  }
0x7b: {  	_ =	shalt  }
0x7c: {  	_ =	shalt  }
0x7d: {  	_ =	shalt  }
0x7e: {  	_ =	shalt  }
0x7f: {  	_ =	shalt  }
0x80: {  	_ =	shalt  }
0x81: {  	_ =	shalt  }
0x82: {  	_ =	shalt  }
0x83: {  	_ =	shalt  }
0x84: {  	_ =	shalt  }
0x85: {  	_ =	shalt  }
0x86: {  	_ =	shalt  }
0x87: {  	_ =	shalt  }
.Lfunc_end0:
.L_simem_size_0:
called_computation.1_lowered:
.L_overlay_start_0:
0x88: {  	s2 =	sld [smem:$0x3FD9]  }
0x89: {  	s3 =	sld [smem:$0x3FFE];
	_ =	sdelay $0x1  }
0x8a: {  	s1 =	srdreg.scid  }
0x8b: {  	s0 =	sand.u32 $0x1, s1  }
0x8c: {  	s16 =	sshll.u32 s0, $0xA;
	s2 =	sadd.s32 s3, s2  }
0x8d: {  	s2 =	sadd.s32 s2, s16  }
0x8e: {  	[smem:$0x3FB9] =	sst s2  }
0x8f: {  	_ = 	snop  }
0x90: {  	(tm) =	ssettm $0x1  }
0x91: {  	s17 =	sld [smem:$0x3FFB];
	_ =	sdelay $0x3  }
0x92: {  	_ =	strace s17  }
0x93: {  	s2 =	sld [smem:$0x3FFC];
	_ =	sdelay $0x3  }
0x94: {  	_ =	strace s2  }
0x95: {  	s2 =	sld [smem:$0x3FFD];
	_ =	sdelay $0x3  }
0x96: {  	_ =	strace s2  }
0x97: {  	_ =	strace $0x8FFFFFFF  }
0x98: {  	s18 =	sld [smem:$0x3FDB];
	_ =	sdelay $0x1  }
0x99: {  	s19 =	simm.s32 $_scs_section_size  }
0x9a: {  	s4 =	simm.s32 $_size__tile_overlayer_lowered;
	s5 =	simm.s32 $_tile_overlayer_lowered  }
0x9b: {  	s22 =	simm.s32 $0x1BFF;
	s21 =	sshll.u32 s5, $0x1;
	s2 =	sadd.s32 s19, s18  }
0x9c: {  	s6 =	simm.s32 $0x0;
	s20 =	sshll.u32 s4, $0x1;
	s4 =	sadd.s32 s21, s2  }
0x9d: {  	[timem:s6], [sflag:s22] =	dma.local [hbm:s4], s20  }
0x9e: {  	_ =	swait.ge [sflag:s22], s20  }
0x9f: {  	s3 =	ssub.s32 $0x0, s20;
	[sflag:s22] =	ssyncset.done $0x0  }
0xa0: {  	[sflag:s22] =	ssyncadd.s32 s3;
	_ =	sdelay $0x1  }
0xa1: {  	s23 =	simm.s32 $0x1B8B  }
0xa2: {  	_ =	swait.ge [sflag:s23], $0x1  }
0xa3: {  	[sflag:s23] =	ssyncset.done $0x0  }
0xa4: {  	s25 =	simm.s32 $0x1B8E;
	s24 =	sld [smem:$0x3FFE];
	[sflag:s23] =	ssyncadd.s32 $0xFFFFFFFF  }
0xa5: {  	s26 =	simm.s32 $execute0_lowered;
	[smem:$0x3FD2] =	sst s25  }
0xa6: {  	s4 =	sshll.u32 s26, $0x1;
	_ =	strace $0x80000046;
	[dreg:$0x1] =	wrdreg $0xFFFFFFFF  }
0xa7: {  	s28 =	simm.s32 $_size_execute0_lowered;
	s2 =	sadd.s32 s2, s4;
	[dreg:$0x0] =	wrdreg $0x0  }
0xa8: {  	s4 =	sshll.u32 s28, $0x1;
	[dreg:$0x2] =	wrdreg s2  }
0xa9: {  	[dreg:$0x3] =	wrdreg s4  }
0xaa: {  	[dreg:$0x4] =	wrdreg $0xC0  }
0xab: {  	_ =	task [dreg:s6], $0x5FFFF  }
0xac: {  	[dreg:$0x1] =	wrdreg $0xFFFFFFFF  }
0xad: {  	[dreg:$0x0] =	wrdreg $0x60  }
0xae: {  	[dreg:$0x2] =	wrdreg s24  }
0xaf: {  	[dreg:$0x3] =	wrdreg $0xA  }
0xb0: {  	_ =	task.clear_ibuf [dreg:s6], $0x4FFFF;
	_ =	strace $0x90000046  }
0xb1: {  	s29 =	simm.s32 $0xA;
	_ =	strace $0x80000048  }
0xb2: {  	_ =	swait.ge [sflag:s29], $0x1  }
0xb3: {  	[sflag:s29] =	ssyncadd.s32 $0xFFFFFFFF  }
0xb4: {  	_ =	strace $0x90000048  }
0xb5: {  	_ =	sfence  }
0xb6: {  	s30 =	sld [smem:$0x0];
	_ =	sdelay $0x2  }
0xb7: {  	s31 =	sshll.u32 s1, $0xD;
	s1 =	sshrl.u32 s1, $0x2  }
0xb8: {  	s3 =	sand.u32 $0x4000, s31;
	s1 =	sadd.s32 s1, s30  }
0xb9: {  	s0 =	sor.u32 s3, s0;
	s1 =	sshll.u32 s1, $0x11  }
0xba: {  	s0 =	sor.u32 s1, s0  }
0xbb: {  	s0 =	sadd.s32 $0x8F2B, s0  }
0xbc: {  	[sflag:s0] =	ssyncadd.remote.s32 $0x1  }
0xbd: {  	_ =	sfence.sel $0xFFFF  }
0xbe: {  	[dreg:$0x0] =	wrdreg $0xFFFFFFFF;
	(pc) =	sbr.abs _section_cstart, $3  }
0xbf: {  	[dreg:$0x1] =	wrdreg $0xFFFFFFFF  }
0xc0: {  	_ =	task.clear_ibuf [dreg:s6], $0x2FFFF;
	_ =	strace $0x9FFFFFFF  }
0xc1: {  	(tm) =	ssettm $0x7FFFFFFF  }
tec
execute0_lowered:
.L_overlay_start_1:
0x0: {  	(tag) =	ssettag $0x1  }
0x1: {  	s0 =	srdreg.scid  }
0x2: {  	s14 =	rddreg [dreg:$0x0];
	s19 =	sand.u32 $0x1, s0  }
0x3: {  	s1 =	stileid.u32;
	s2 =	simm.s32 $0x0;
	s3 =	sshll.u32 s19, $0x6  }
0x4: {  	s0 =	rddreg [dreg:$0x1];
	s4 =	sshll.u32 s1, $0x7;
	s3 =	sadd.s32 s3, s14  }
0x5: {  	[smem:$0x7FF] =	sst s2;
	s3 =	sadd.s32 s4, s3  }
0x6: {  	_ =	strace $0x80000047;
	s4 =	simm.s32 $0x3;
	s3 =	sadd.s32 $0xD3800, s3  }
0x7: {  	[tilespmem:s2], [sflag:$0x3] =	stream.linear.gather [hbm4b:s3+s2], $0x200, $0x38;
	[tilespmem:$0x10200] =	vst v63  }
0x8: {  	_ =	swait.ge [sflag:s4], $0x200  }
0x9: {  	s6 =	simm.s32 $0x80;
	[sflag:s4] =	ssyncset.done $0x0  }
0xa: {  	s7 =	simm.s32 $0x200;
	s5 =	sadd.s32 $0x3800, s14;
	[sflag:s4] =	ssyncadd.s32 $0xFFFFFE00  }
0xb: {  	[tilespmem:s7], [sflag:$0x1] =	stream.indirect.gather [hbm4b:s5+s6], $0x80, s2, s6, $0xb8;
	[tilespmem:$0x10200] =	vst v63  }
0xc: {  	s8 =	simm.s32 $0x4200;
	s9 =	simm.s32 $0x100  }
0xd: {  	[tilespmem:s8], [sflag:$0x1] =	stream.indirect.gather [hbm4b:s5+s6], $0x80, s6, s6, $0xb8;
	[tilespmem:$0x10200] =	vst v63  }
0xe: {  	s10 =	simm.s32 $0x8200;
	s11 =	simm.s32 $0x180;
	s12 =	simm.s32 $0xC200  }
0xf: {  	[tilespmem:s10], [sflag:$0x1] =	stream.indirect.gather [hbm4b:s5+s6], $0x80, s9, s6, $0xb8;
	[tilespmem:$0x10200] =	vst v63  }
0x10: {  	s13 =	simm.s32 $0x1;
	s15 =	sshll.u32 s1, $0xE;
	s16 =	sshll.u32 s19, $0xD  }
0x11: {  	[tilespmem:s12], [sflag:$0x1] =	stream.indirect.gather [hbm4b:s5+s6], $0x80, s11, s6, $0xb8;
	[tilespmem:$0x10200] =	vst v63  }
0x12: {  	s15 =	sor.u32 s16, s15;
	_ =	swait.ge [sflag:s13], $0x4000  }
0x13: {  	s17 =	sadd.s32 s15, s14;
	[sflag:s13] =	ssyncset.done $0x0  }
0x14: {  	s14 =	sadd.s32 $0xD5000, s17;
	[sflag:s13] =	ssyncadd.s32 $0xFFFFC000  }
0x15: {  	[hbm4b:s14+s2] =	stream.linear.scatter [tilespmem:s7], [sflag:$0x2], $0x4000, $0x38;
	[tilespmem:$0x10200] =	vst v63  }
0x16: {  	_ =	swait.ge [sflag:s13], $0x4000  }
0x17: {  	[sflag:s13] =	ssyncset.done $0x0  }
0x18: {  	s15 =	sadd.s32 $0xD5800, s17;
	[sflag:s13] =	ssyncadd.s32 $0xFFFFC000  }
0x19: {  	[hbm4b:s15+s2] =	stream.linear.scatter [tilespmem:s8], [sflag:$0x2], $0x4000, $0x38;
	[tilespmem:$0x10200] =	vst v63  }
0x1a: {  	_ =	swait.ge [sflag:s13], $0x4000  }
0x1b: {  	[sflag:s13] =	ssyncset.done $0x0  }
0x1c: {  	s16 =	sadd.s32 $0xD6000, s17;
	[sflag:s13] =	ssyncadd.s32 $0xFFFFC000  }
0x1d: {  	[hbm4b:s16+s2] =	stream.linear.scatter [tilespmem:s10], [sflag:$0x2], $0x4000, $0x38;
	[tilespmem:$0x10200] =	vst v63  }
0x1e: {  	_ =	swait.ge [sflag:s13], $0x4000  }
0x1f: {  	[sflag:s13] =	ssyncset.done $0x0  }
0x20: {  	s18 =	sadd.s32 $0xD6800, s17;
	s17 =	simm.s32 $0x2;
	[sflag:s13] =	ssyncadd.s32 $0xFFFFC000  }
0x21: {  	[hbm4b:s18+s2] =	stream.linear.scatter [tilespmem:s12], [sflag:$0x2], $0x4000, $0x38;
	[tilespmem:$0x10200] =	vst v63  }
0x22: {  	_ =	swait.ge [sflag:s17], $0x4000  }
0x23: {  	s19 =	ssub.s32 $0x2, s19;
	[sflag:s17] =	ssyncset.done $0x0  }
0x24: {  	s20 =	sshrl.u32 s19, $0x1;
	[sflag:s17] =	ssyncadd.s32 $0xFFFFC000  }
0x25: {  	s19 =	ssub.s32 s19, s20;
	_ =	swait.ge [sflag:s17], $0x4000  }
0x26: {  	s19 =	smax.u32 s19, $0x1;
	[sflag:s17] =	ssyncset.done $0x0  }
0x27: {  	p0 =	sne.s32 s19, $0x1;
	[sflag:s17] =	ssyncadd.s32 $0xFFFFC000  }
.Ltmp0:
0x28: {  	_ =	swait.ge [sflag:s17], $0x4000;
	(pc) =	sbr.rel @!p0 .LBB2_2-.Ltmp0, $4  }
0x29: {  	[sflag:s17] =	ssyncset.done $0x0  }
0x2a: {  	[sflag:s17] =	ssyncadd.s32 $0xFFFFC000  }
0x2b: {  	_ =	swait.ge [sflag:s17], $0x4000  }
0x2c: {  	s19 =	sadd.s32 $0xFFFFFFFF, s19;
	[sflag:s17] =	ssyncset.done $0x0  }
.LBB2_1:
0x2d: {  	p0 =	sne.s32 s19, $0x1;
	s19 =	sadd.s32 $0xFFFFFFFF, s19;
	[sflag:s17] =	ssyncadd.s32 $0xFFFFC000  }
0x2e: {  	[tilespmem:s2], [sflag:$0x3] =	stream.linear.gather [hbm4b:s3+s2], $0x200, $0x38;
	[tilespmem:$0x10200] =	vst v63  }
0x2f: {  	_ =	swait.ge [sflag:s4], $0x200  }
0x30: {  	[sflag:s4] =	ssyncset.done $0x0  }
0x31: {  	[sflag:s4] =	ssyncadd.s32 $0xFFFFFE00  }
0x32: {  	[tilespmem:s7], [sflag:$0x1] =	stream.indirect.gather [hbm4b:s5+s6], $0x80, s2, s6, $0xb8;
	[tilespmem:$0x10200] =	vst v63  }
0x33: {  	_ = 	snop  }
0x34: {  	[tilespmem:s8], [sflag:$0x1] =	stream.indirect.gather [hbm4b:s5+s6], $0x80, s6, s6, $0xb8;
	[tilespmem:$0x10200] =	vst v63  }
0x35: {  	_ = 	snop  }
0x36: {  	[tilespmem:s10], [sflag:$0x1] =	stream.indirect.gather [hbm4b:s5+s6], $0x80, s9, s6, $0xb8;
	[tilespmem:$0x10200] =	vst v63  }
0x37: {  	_ = 	snop  }
0x38: {  	[tilespmem:s12], [sflag:$0x1] =	stream.indirect.gather [hbm4b:s5+s6], $0x80, s11, s6, $0xb8;
	[tilespmem:$0x10200] =	vst v63  }
0x39: {  	_ =	swait.ge [sflag:s13], $0x4000  }
0x3a: {  	[sflag:s13] =	ssyncset.done $0x0  }
0x3b: {  	[sflag:s13] =	ssyncadd.s32 $0xFFFFC000  }
0x3c: {  	[hbm4b:s14+s2] =	stream.linear.scatter [tilespmem:s7], [sflag:$0x2], $0x4000, $0x38;
	[tilespmem:$0x10200] =	vst v63  }
0x3d: {  	_ =	swait.ge [sflag:s13], $0x4000  }
0x3e: {  	[sflag:s13] =	ssyncset.done $0x0  }
0x3f: {  	[sflag:s13] =	ssyncadd.s32 $0xFFFFC000  }
0x40: {  	[hbm4b:s15+s2] =	stream.linear.scatter [tilespmem:s8], [sflag:$0x2], $0x4000, $0x38;
	[tilespmem:$0x10200] =	vst v63  }
0x41: {  	_ =	swait.ge [sflag:s13], $0x4000  }
0x42: {  	[sflag:s13] =	ssyncset.done $0x0  }
0x43: {  	[sflag:s13] =	ssyncadd.s32 $0xFFFFC000  }
0x44: {  	[hbm4b:s16+s2] =	stream.linear.scatter [tilespmem:s10], [sflag:$0x2], $0x4000, $0x38;
	[tilespmem:$0x10200] =	vst v63  }
0x45: {  	_ =	swait.ge [sflag:s13], $0x4000  }
0x46: {  	[sflag:s13] =	ssyncset.done $0x0  }
0x47: {  	[sflag:s13] =	ssyncadd.s32 $0xFFFFC000  }
0x48: {  	[hbm4b:s18+s2] =	stream.linear.scatter [tilespmem:s12], [sflag:$0x2], $0x4000, $0x38;
	[tilespmem:$0x10200] =	vst v63  }
0x49: {  	_ =	swait.ge [sflag:s17], $0x4000  }
0x4a: {  	[sflag:s17] =	ssyncset.done $0x0  }
0x4b: {  	[sflag:s17] =	ssyncadd.s32 $0xFFFFC000  }
0x4c: {  	_ =	swait.ge [sflag:s17], $0x4000  }
0x4d: {  	[sflag:s17] =	ssyncset.done $0x0  }
0x4e: {  	[sflag:s17] =	ssyncadd.s32 $0xFFFFC000  }
.Ltmp1:
0x4f: {  	_ =	swait.ge [sflag:s17], $0x4000;
	(pc) =	sbr.rel @p0 .LBB2_1-.Ltmp1, $4  }
0x50: {  	[sflag:s17] =	ssyncset.done $0x0  }
0x51: {  	[sflag:s17] =	ssyncadd.s32 $0xFFFFC000  }
0x52: {  	_ =	swait.ge [sflag:s17], $0x4000  }
0x53: {  	[sflag:s17] =	ssyncset.done $0x0  }
.LBB2_2:
0x54: {  	[sflag:s17] =	ssyncadd.s32 $0xFFFFC000  }
0x55: {  	_ =	sfence.sel $0x180000  }
0x56: {  	[bflag:$0x0] =	sbarrier.arrive $0xFFFF  }
0x57: {  	p0 =	sne.s32 s1, $0x0;
	_ =	strace $0x90000047  }
0x58: {  	s0 =	sadd.s32 @!p0 $0x100000, s0;
	[bflag:$0x2] =	sbarrier.arrive $0xFFFF  }
0x59: {  	[sflag:s0] =	ssyncadd.tile.s32 @!p0 $0x1;
	_ =	shalt  }
.Lfunc_end2:
_tile_overlayer_lowered:
.L_overlay_start_2:
0x5a: {  	(tag) =	ssettag $0x2  }
0x5b: {  	s0 =	rddreg [dreg:$0x0];
	s2 =	stileid.u32  }
0x5c: {  	s1 =	rddreg [dreg:$0x1];
	p0 =	sne.s32 s2, $0x0  }
0x5d: {  	s3 =	rddreg [dreg:$0x2];
	[bflag:$0x3] =	sbarrier.arrive $0xFFFF;
	s2 =	simm.s32 @!p0 $0x1C03  }
0x5e: {  	[timem:s3], [sflag:s2] =	dma.local @!p0 [hbm:s0], s1  }
0x5f: {  	s0 =	simm.s32 @!p0 $0x3  }
0x60: {  	_ =	swait.ge @!p0 [sflag:s0], s1  }
0x61: {  	s1 =	ssub.s32 @!p0 $0x0, s1;
	[sflag:s0] =	ssyncset.done @!p0 $0x0  }
0x62: {  	[sflag:s0] =	ssyncadd.s32 @!p0 s1  }
0x63: {  	[bflag:$0x3] =	sbarrier.arrive $0xFFFF  }
0x64: {  	_ =	shalt  }

// kernel: kernel.7.cloned.1.call-start
scs
__scs_entry_jumppad:
0x0: {  	(pc) =	sbr.rel $0x88, $3  }
0x1: {  	(tag) =	ssettag $0x0;
	lr =	simm.s32 $0x1  }
0x2: {  	[smem:$0x3F92] =	sst lr;
	_ =	strace $0xD0000000  }
0x3: {  	_ = 	snop  }
0x4: {  	_ = 	snop  }
0x5: {  	_ = 	snop  }
0x6: {  	_ = 	snop  }
0x7: {  	_ = 	snop  }
__scs_overlays_trampoline_lowered:
0x8: {  	[smem:$0x3FA1] =	sst s0  }
0x9: {  	[smem:$0x3FA2] =	sst s1  }
0xa: {  	[smem:$0x3FA3] =	sst s2  }
0xb: {  	[smem:$0x3FA4] =	sst s3  }
0xc: {  	[smem:$0x3FA5] =	sst s4  }
0xd: {  	[smem:$0x3FA6] =	sst s5  }
0xe: {  	[smem:$0x3FA7] =	sst s6  }
0xf: {  	[smem:$0x3FA8] =	sst s7  }
0x10: {  	[smem:$0x3FA9] =	sst s8  }
0x11: {  	[smem:$0x3FAA] =	sst s9;
	s0 =	simm.s32 @!p0 $0x0  }
0x12: {  	s1 =	sld [smem:$0x3F90];
	s0 =	simm.s32 @p0 $0x1  }
0x13: {  	[smem:$0x3FAB] =	sst s0;
	s0 =	simm.s32 @!p1 $0x0  }
0x14: {  	s2 =	sld [smem:$0x3F8F];
	s0 =	simm.s32 @p1 $0x1  }
0x15: {  	[smem:$0x3FAC] =	sst s0;
	s0 =	simm.s32 @!p2 $0x0  }
0x16: {  	s3 =	sld [smem:$0x3FDB];
	s0 =	simm.s32 @p2 $0x1  }
0x17: {  	s4 =	simm.s32 $0x1BF5;
	[smem:$0x3FAE] =	sst s0  }
0x18: {  	s0 =	sld [smem:$0x3F91];
	_ =	swait.ge [sflag:s4], $0x0  }
0x19: {  	s7 =	sld [smem:$0x3F92]  }
0x1a: {  	s8 =	sadd.s32 $0xFFFFE003, lr  }
0x1b: {  	s9 =	sadd.s32 $0xFFFFFEF7, lr;
	s5 =	simm.s32 $0xFFFFFFFF;
	p2 =	slt.u32 s8, $0xFFFFF086  }
0x1c: {  	p1 =	slt.u32 s9, $0xF7A;
	s5 =	simm.s32 @!p2 $0x0  }
0x1d: {  	s5 =	simm.s32 @p1 $0x1;
	p0 =	seq.s32 s7, s2  }
0x1e: {  	s7 =	smul.u32 @!p0 $0xF7A, s2;
	p2 =	seq.s32 @!p0 s5, $0x0  }
0x1f: {  	s9 =	smul.u32 $0xF7A, s1;
	s8 =	simm.s32 @!p0 $0x1BF5;
	p2 =	por !p2, p0  }
0x20: {  	[sflag:s8] =	ssyncset.s32 @!p0 $0xFFFFF086;
	s6 =	sadd.s32 @!p0 s3, s7;
	s7 =	simm.s32 @!p0 $0x108  }
0x21: {  	s3 =	sadd.s32 s3, s9;
	s6 =	sadd.s32 @!p0 $0x88, s6;
	s7 =	simm.s32 @p2 $0x1082  }
0x22: {  	[simem:s7], [sflag:s8] =	dma.local @!p0 [hbm:s6], $0xF7A  }
0x23: {  	s9 =	sor.u32 $0xD0000000, s2;
	s6 =	simm.s32 $0x108;
	_ =	swait.ge @!p0 [sflag:s8], $0x0  }
0x24: {  	s3 =	sadd.s32 $0x88, s3;
	s6 =	simm.s32 @!p1 $0x1082;
	[sflag:s4] =	ssyncset.s32 $0xFFFFF086  }
0x25: {  	[simem:s6], [sflag:s4] =	dma.local [hbm:s3], $0xF7A  }
0x26: {  	[smem:$0x3F92] =	sst s1;
	(tag) =	ssettag s2;
	_ =	strace s9  }
0x27: {  	s1 =	sld [smem:$0x3FA2]  }
0x28: {  	s2 =	sld [smem:$0x3FA3]  }
0x29: {  	s4 =	sld [smem:$0x3FA5]  }
0x2a: {  	p0 =	seq.s32 s5, $0x0;
	s5 =	sld [smem:$0x3FA6]  }
0x2b: {  	s6 =	sld [smem:$0x3FA7]  }
0x2c: {  	s7 =	sld [smem:$0x3FA8]  }
0x2d: {  	s3 =	simm.s32 $0x108;
	s8 =	sld [smem:$0x3FA9]  }
0x2e: {  	s3 =	simm.s32 @!p0 $0x1082;
	s9 =	sld [smem:$0x3FAA]  }
0x2f: {  	lr =	sadd.s32 s0, s3;
	s0 =	sld [smem:$0x3FA1]  }
0x30: {  	s3 =	sld [smem:$0x3FA4]  }
0x31: {  	[smem:$0x3FAD] =	sst s10  }
0x32: {  	s10 =	sld [smem:$0x3FAB];
	_ =	sdelay $0x3  }
0x33: {  	p0 =	seq.s32 s10, $0x1;
	s10 =	sld [smem:$0x3FAD];
	_ =	sdelay $0x3  }
0x34: {  	[smem:$0x3FAD] =	sst s10  }
0x35: {  	s10 =	sld [smem:$0x3FAC];
	_ =	sdelay $0x3  }
0x36: {  	p1 =	seq.s32 s10, $0x1;
	s10 =	sld [smem:$0x3FAD];
	_ =	sdelay $0x3  }
0x37: {  	[smem:$0x3FAD] =	sst s10  }
0x38: {  	s10 =	sld [smem:$0x3FAE]  }
0x39: {  	_ = 	snop;
	(pc) =	sbr.ind lr, $3  }
0x3a: {  	_ = 	snop  }
0x3b: {  	_ = 	snop  }
0x3c: {  	p2 =	seq.s32 s10, $0x1;
	s10 =	sld [smem:$0x3FAD]  }
0x3d: {  	_ =	shalt  }
0x3e: {  	_ =	shalt  }
0x3f: {  	_ =	shalt  }
0x40: {  	_ =	shalt  }
0x41: {  	_ =	shalt  }
0x42: {  	_ =	shalt  }
0x43: {  	_ =	shalt  }
0x44: {  	_ =	shalt  }
0x45: {  	_ =	shalt  }
0x46: {  	_ =	shalt  }
0x47: {  	_ =	shalt  }
0x48: {  	_ =	shalt  }
0x49: {  	_ =	shalt  }
0x4a: {  	_ =	shalt  }
0x4b: {  	_ =	shalt  }
0x4c: {  	_ =	shalt  }
0x4d: {  	_ =	shalt  }
0x4e: {  	_ =	shalt  }
0x4f: {  	_ =	shalt  }
0x50: {  	_ =	shalt  }
0x51: {  	_ =	shalt  }
0x52: {  	_ =	shalt  }
0x53: {  	_ =	shalt  }
0x54: {  	_ =	shalt  }
0x55: {  	_ =	shalt  }
0x56: {  	_ =	shalt  }
0x57: {  	_ =	shalt  }
0x58: {  	_ =	shalt  }
0x59: {  	_ =	shalt  }
0x5a: {  	_ =	shalt  }
0x5b: {  	_ =	shalt  }
0x5c: {  	_ =	shalt  }
0x5d: {  	_ =	shalt  }
0x5e: {  	_ =	shalt  }
0x5f: {  	_ =	shalt  }
0x60: {  	_ =	shalt  }
0x61: {  	_ =	shalt  }
0x62: {  	_ =	shalt  }
0x63: {  	_ =	shalt  }
0x64: {  	_ =	shalt  }
0x65: {  	_ =	shalt  }
0x66: {  	_ =	shalt  }
0x67: {  	_ =	shalt  }
0x68: {  	_ =	shalt  }
0x69: {  	_ =	shalt  }
0x6a: {  	_ =	shalt  }
0x6b: {  	_ =	shalt  }
0x6c: {  	_ =	shalt  }
0x6d: {  	_ =	shalt  }
0x6e: {  	_ =	shalt  }
0x6f: {  	_ =	shalt  }
0x70: {  	_ =	shalt  }
0x71: {  	_ =	shalt  }
0x72: {  	_ =	shalt  }
0x73: {  	_ =	shalt  }
0x74: {  	_ =	shalt  }
0x75: {  	_ =	shalt  }
0x76: {  	_ =	shalt  }
0x77: {  	_ =	shalt  }
0x78: {  	_ =	shalt  }
0x79: {  	_ =	shalt  }
0x7a: {  	_ =	shalt  }
0x7b: {  	_ =	shalt  }
0x7c: {  	_ =	shalt  }
0x7d: {  	_ =	shalt  }
0x7e: {  	_ =	shalt  }
0x7f: {  	_ =	shalt  }
0x80: {  	_ =	shalt  }
0x81: {  	_ =	shalt  }
0x82: {  	_ =	shalt  }
0x83: {  	_ =	shalt  }
0x84: {  	_ =	shalt  }
0x85: {  	_ =	shalt  }
0x86: {  	_ =	shalt  }
0x87: {  	_ =	shalt  }
.Lfunc_end0:
.L_simem_size_0:
called_computation_lowered:
.L_overlay_start_0:
0x88: {  	s2 =	sld [smem:$0x3FD9]  }
0x89: {  	s3 =	sld [smem:$0x3FFE];
	_ =	sdelay $0x1  }
0x8a: {  	s1 =	srdreg.scid  }
0x8b: {  	s0 =	sand.u32 $0x1, s1  }
0x8c: {  	s17 =	sshll.u32 s0, $0xA;
	s2 =	sadd.s32 s3, s2  }
0x8d: {  	s2 =	sadd.s32 s2, s17  }
0x8e: {  	[smem:$0x3FB9] =	sst s2  }
0x8f: {  	_ = 	snop  }
0x90: {  	s18 =	sld [smem:$0x3FD0];
	(tm) =	ssettm $0x1  }
0x91: {  	s19 =	sld [smem:$0x3FFB];
	_ =	sdelay $0x3  }
0x92: {  	_ =	strace s19  }
0x93: {  	s2 =	sld [smem:$0x3FFC];
	_ =	sdelay $0x3  }
0x94: {  	_ =	strace s2  }
0x95: {  	s2 =	sld [smem:$0x3FFD];
	_ =	sdelay $0x3  }
0x96: {  	_ =	strace s2  }
0x97: {  	_ =	strace $0x8FFFFFFF  }
0x98: {  	s20 =	sld [smem:$0x3FDB];
	_ =	sdelay $0x1  }
0x99: {  	s4 =	simm.s32 $_scs_section_size  }
0x9a: {  	s5 =	simm.s32 $_size__tile_overlayer_lowered;
	s6 =	simm.s32 $_tile_overlayer_lowered  }
0x9b: {  	s7 =	simm.s32 $0x1BFF;
	s21 =	sshll.u32 s6, $0x1;
	s4 =	sadd.s32 s4, s20  }
0x9c: {  	s22 =	simm.s32 $0x0;
	s5 =	sshll.u32 s5, $0x1;
	s6 =	sadd.s32 s21, s4  }
0x9d: {  	[timem:s22], [sflag:s7] =	dma.local [hbm:s6], s5  }
0x9e: {  	_ =	swait.ge [sflag:s7], s5  }
0x9f: {  	s5 =	ssub.s32 $0x0, s5;
	[sflag:s7] =	ssyncset.done $0x0  }
0xa0: {  	[sflag:s7] =	ssyncadd.s32 s5;
	_ =	sdelay $0x1  }
0xa1: {  	s23 =	simm.s32 $0x1B8B  }
0xa2: {  	_ =	swait.ge [sflag:s23], $0x1  }
0xa3: {  	[sflag:s23] =	ssyncset.done $0x0  }
0xa4: {  	[sflag:s23] =	ssyncadd.s32 $0xFFFFFFFF  }
0xa5: {  	s5 =	sld [smem:$0x0]  }
0xa6: {  	s6 =	sand.u32 $0xFFFFFFFE, s1  }
0xa7: {  	p0 =	sne.s32 s1, s6  }
0xa8: {  	s6 =	sshll.u32 @p0 s6, $0xE  }
0xa9: {  	s6 =	sadd.s32 @p0 $0x11B8D, s6;
	s7 =	sshll.u32 @p0 s5, $0x11  }
0xaa: {  	s6 =	sor.u32 @p0 s7, s6  }
0xab: {  	[sflag:s6] =	ssyncadd.remote.s32 @p0 $0x1;
	_ =	sdelay $0x1  }
0xac: {  	s6 =	simm.s32 @p0 $0x1B8D  }
0xad: {  	_ =	swait.eq @p0 [sflag:s6], $0x1  }
0xae: {  	[sflag:s6] =	ssyncadd.s32 @p0 $0xFFFFFFFF  }
0xaf: {  	s7 =	sshll.u32 @!p0 s1, $0xE  }
0xb0: {  	s7 =	sor.u32 @!p0 $0x4000, s7;
	s6 =	simm.s32 @!p0 $0x1B8D  }
0xb1: {  	s5 =	sshll.u32 @!p0 s5, $0x11;
	s7 =	sadd.s32 @!p0 $0x11B8D, s7;
	_ =	swait.eq @!p0 [sflag:s6], $0x1  }
0xb2: {  	s5 =	sor.u32 @!p0 s5, s7;
	[sflag:s6] =	ssyncadd.s32 @!p0 $0xFFFFFFFF  }
0xb3: {  	s25 =	simm.s32 $0x1B8E;
	s24 =	sld [smem:$0x3FFE];
	[sflag:s5] =	ssyncadd.remote.s32 @!p0 $0x1  }
0xb4: {  	s26 =	simm.s32 $execute0_lowered;
	[smem:$0x3FD2] =	sst s25  }
0xb5: {  	s6 =	sshll.u32 s26, $0x1;
	_ =	strace $0x80000049;
	[dreg:$0x1] =	wrdreg $0xFFFFFFFF  }
0xb6: {  	s28 =	simm.s32 $_size_execute0_lowered;
	s4 =	sadd.s32 s4, s6;
	[dreg:$0x0] =	wrdreg $0x0  }
0xb7: {  	s6 =	sshll.u32 s28, $0x1;
	[dreg:$0x2] =	wrdreg s4  }
0xb8: {  	[dreg:$0x3] =	wrdreg s6  }
0xb9: {  	[dreg:$0x4] =	wrdreg $0xC0  }
0xba: {  	_ =	task [dreg:s22], $0x5FFFF  }
0xbb: {  	[dreg:$0x1] =	wrdreg $0xFFFFFFFF  }
0xbc: {  	[dreg:$0x0] =	wrdreg $0x60  }
0xbd: {  	[dreg:$0x2] =	wrdreg s24  }
0xbe: {  	[dreg:$0x3] =	wrdreg s18  }
0xbf: {  	[dreg:$0x4] =	wrdreg $0x9  }
0xc0: {  	_ =	task.clear_ibuf [dreg:s22], $0x5FFFF;
	_ =	strace $0x90000049  }
0xc1: {  	s29 =	simm.s32 $0x9;
	_ =	strace $0x8000004B  }
0xc2: {  	_ =	swait.ge [sflag:s29], $0x1  }
0xc3: {  	[sflag:s29] =	ssyncadd.s32 $0xFFFFFFFF  }
0xc4: {  	_ =	strace $0x9000004B  }
0xc5: {  	_ =	sfence  }
0xc6: {  	s30 =	sld [smem:$0x0];
	_ =	sdelay $0x2  }
0xc7: {  	s31 =	sshll.u32 s1, $0xD;
	s1 =	sshrl.u32 s1, $0x2  }
0xc8: {  	s4 =	sand.u32 $0x4000, s31;
	s1 =	sadd.s32 s1, s30  }
0xc9: {  	s0 =	sor.u32 s4, s0;
	s1 =	sshll.u32 s1, $0x11  }
0xca: {  	s0 =	sor.u32 s1, s0  }
0xcb: {  	s0 =	sadd.s32 $0x8F2B, s0  }
0xcc: {  	[sflag:s0] =	ssyncadd.remote.s32 $0x1  }
0xcd: {  	_ =	sfence.sel $0xFFFF  }
0xce: {  	[dreg:$0x0] =	wrdreg $0xFFFFFFFF;
	(pc) =	sbr.abs _section_cstart, $3  }
0xcf: {  	[dreg:$0x1] =	wrdreg $0xFFFFFFFF  }
0xd0: {  	_ =	task.clear_ibuf [dreg:s22], $0x2FFFF;
	_ =	strace $0x9FFFFFFF  }
0xd1: {  	(tm) =	ssettm $0x7FFFFFFF  }
tec
execute0_lowered:
.L_overlay_start_1:
0x0: {  	(tag) =	ssettag $0x1  }
0x1: {  	s1 =	srdreg.scid  }
0x2: {  	s0 =	stileid.u32;
	s1 =	sand.u32 $0x1, s1  }
0x3: {  	s28 =	rddreg [dreg:$0x0];
	s4 =	sshll.u32 s0, $0x7;
	s5 =	sshll.u32 s1, $0x6  }
0x4: {  	s2 =	rddreg [dreg:$0x1];
	s3 =	simm.s32 $0x0;
	s4 =	sor.u32 s5, s4  }
0x5: {  	[smem:$0x7FF] =	sst s3;
	s5 =	sadd.s32 s4, s28  }
0x6: {  	[dreg:$0x4] =	wrdreg s1;
	s4 =	sadd.s32 $0xD4000, s5  }
0x7: {  	_ =	strace $0x8000004A;
	[dreg:$0x3] =	wrdreg s4  }
0x8: {  	s4 =	simm.s32 $0x3;
	s6 =	rddreg [dreg:$0x3]  }
0x9: {  	[tilespmem:s3], [sflag:$0x3] =	stream.linear.gather [hbm4b:s6+s3], $0x200, $0x38;
	[tilespmem:$0x1C400] =	vst v63  }
0xa: {  	_ =	swait.ge [sflag:s4], $0x200  }
0xb: {  	[sflag:s4] =	ssyncset.done $0x0  }
0xc: {  	s5 =	sadd.s32 $0xD4800, s5;
	s6 =	simm.s32 $0x200;
	[sflag:s4] =	ssyncadd.s32 $0xFFFFFE00  }
0xd: {  	[tilespmem:s6], [sflag:$0x3] =	stream.linear.gather [hbm4b:s5+s3], $0x200, $0x38;
	[tilespmem:$0x1C400] =	vst v63  }
0xe: {  	_ =	swait.ge [sflag:s4], $0x200  }
0xf: {  	[sflag:s4] =	ssyncset.done $0x0  }
0x10: {  	s7 =	simm.s32 $0x80;
	s8 =	simm.s32 $0x400;
	[sflag:s4] =	ssyncadd.s32 $0xFFFFFE00  }
0x11: {  	[tilespmem:s8], [sflag:$0x1] =	stream.indirect.gather [hbm4b:s2+s7], $0x80, s3, s7, $0xb8;
	[tilespmem:$0x1C400] =	vst v63  }
0x12: {  	s9 =	simm.s32 $0x4400  }
0x13: {  	[tilespmem:s9], [sflag:$0x1] =	stream.indirect.gather [hbm4b:s2+s7], $0x80, s7, s7, $0xb8;
	[tilespmem:$0x1C400] =	vst v63  }
0x14: {  	s10 =	simm.s32 $0x100;
	s11 =	simm.s32 $0x8400  }
0x15: {  	[tilespmem:s11], [sflag:$0x1] =	stream.indirect.gather [hbm4b:s2+s7], $0x80, s10, s7, $0xb8;
	[tilespmem:$0x1C400] =	vst v63  }
0x16: {  	s12 =	simm.s32 $0x180;
	s13 =	simm.s32 $0xC400  }
0x17: {  	[tilespmem:s13], [sflag:$0x1] =	stream.indirect.gather [hbm4b:s2+s7], $0x80, s12, s7, $0xb8;
	[tilespmem:$0x1C400] =	vst v63  }
0x18: {  	s15 =	simm.s32 $0x10400;
	s14 =	sadd.s32 $0x115000, s28  }
0x19: {  	[tilespmem:s15], [sflag:$0x1] =	stream.indirect.gather [hbm4b:s14+s7], $0x80, s6, s7, $0xb8;
	[tilespmem:$0x1C400] =	vst v63  }
0x1a: {  	s16 =	simm.s32 $0x280;
	s17 =	simm.s32 $0x14400  }
0x1b: {  	[tilespmem:s17], [sflag:$0x1] =	stream.indirect.gather [hbm4b:s14+s7], $0x80, s16, s7, $0xb8;
	[tilespmem:$0x1C400] =	vst v63  }
0x1c: {  	s18 =	simm.s32 $0x300;
	s19 =	simm.s32 $0x18400;
	s20 =	simm.s32 $0x1  }
0x1d: {  	[tilespmem:s19], [sflag:$0x1] =	stream.indirect.gather [hbm4b:s14+s7], $0x80, s18, s7, $0xb8;
	[tilespmem:$0x1C400] =	vst v63  }
0x1e: {  	s21 =	sshll.u32 s0, $0xE;
	s22 =	sshll.u32 s1, $0xD;
	_ =	swait.ge [sflag:s20], $0x4000  }
0x1f: {  	s26 =	sadd.s32 $0x125000, s28;
	s29 =	sor.u32 s22, s21;
	[sflag:s20] =	ssyncset.done $0x0  }
0x20: {  	s22 =	simm.s32 $0x2;
	s21 =	sadd.s32 s26, s29;
	[sflag:s20] =	ssyncadd.s32 $0xFFFFC000  }
0x21: {  	[hbm4b:s21+s3] =	stream.linear.scatter [tilespmem:s8], [sflag:$0x2], $0x4000, $0x38;
	[tilespmem:$0x1C400] =	vst v63  }
0x22: {  	_ =	swait.ge [sflag:s22], $0x4000  }
0x23: {  	[sflag:s22] =	ssyncset.done $0x0  }
0x24: {  	s23 =	simm.s32 $0x380;
	[sflag:s22] =	ssyncadd.s32 $0xFFFFC000  }
0x25: {  	[tilespmem:s8], [sflag:$0x1] =	stream.indirect.gather [hbm4b:s14+s7], $0x80, s23, s7, $0xb8;
	[tilespmem:$0x1C400] =	vst v63  }
0x26: {  	_ =	swait.ge [sflag:s20], $0x4000  }
0x27: {  	s30 =	sor.u32 $0x800, s29;
	[sflag:s20] =	ssyncset.done $0x0  }
0x28: {  	s24 =	sadd.s32 s26, s30;
	[sflag:s20] =	ssyncadd.s32 $0xFFFFC000  }
0x29: {  	[hbm4b:s24+s3] =	stream.linear.scatter [tilespmem:s9], [sflag:$0x2], $0x4000, $0x38;
	[tilespmem:$0x1C400] =	vst v63  }
0x2a: {  	_ =	swait.ge [sflag:s20], $0x4000  }
0x2b: {  	s31 =	sor.u32 $0x1000, s29;
	[sflag:s20] =	ssyncset.done $0x0  }
0x2c: {  	s25 =	sadd.s32 s26, s31;
	[sflag:s20] =	ssyncadd.s32 $0xFFFFC000  }
0x2d: {  	[hbm4b:s25+s3] =	stream.linear.scatter [tilespmem:s11], [sflag:$0x2], $0x4000, $0x38;
	[tilespmem:$0x1C400] =	vst v63  }
0x2e: {  	_ =	swait.ge [sflag:s20], $0x4000  }
0x2f: {  	s1 =	sor.u32 $0x1800, s29;
	[sflag:s20] =	ssyncset.done $0x0  }
0x30: {  	s26 =	sadd.s32 s26, s1;
	[sflag:s20] =	ssyncadd.s32 $0xFFFFC000  }
0x31: {  	[hbm4b:s26+s3] =	stream.linear.scatter [tilespmem:s13], [sflag:$0x2], $0x4000, $0x38;
	[tilespmem:$0x1C400] =	vst v63  }
0x32: {  	_ =	swait.ge [sflag:s20], $0x4000  }
0x33: {  	s0 =	sadd.s32 $0x165000, s28;
	[sflag:s20] =	ssyncset.done $0x0  }
0x34: {  	s28 =	sadd.s32 s0, s29;
	[sflag:s20] =	ssyncadd.s32 $0xFFFFC000  }
0x35: {  	[hbm4b:s28+s3] =	stream.linear.scatter [tilespmem:s15], [sflag:$0x2], $0x4000, $0x38;
	[tilespmem:$0x1C400] =	vst v63  }
0x36: {  	_ =	swait.ge [sflag:s20], $0x4000  }
0x37: {  	[sflag:s20] =	ssyncset.done $0x0  }
0x38: {  	s29 =	sadd.s32 s0, s30;
	[sflag:s20] =	ssyncadd.s32 $0xFFFFC000  }
0x39: {  	[hbm4b:s29+s3] =	stream.linear.scatter [tilespmem:s17], [sflag:$0x2], $0x4000, $0x38;
	[tilespmem:$0x1C400] =	vst v63  }
0x3a: {  	_ =	swait.ge [sflag:s20], $0x4000  }
0x3b: {  	[sflag:s20] =	ssyncset.done $0x0  }
0x3c: {  	s30 =	sadd.s32 s0, s31;
	[sflag:s20] =	ssyncadd.s32 $0xFFFFC000  }
0x3d: {  	[hbm4b:s30+s3] =	stream.linear.scatter [tilespmem:s19], [sflag:$0x2], $0x4000, $0x38;
	[tilespmem:$0x1C400] =	vst v63  }
0x3e: {  	_ =	swait.ge [sflag:s20], $0x4000  }
0x3f: {  	[sflag:s20] =	ssyncset.done $0x0  }
0x40: {  	s31 =	sadd.s32 s0, s1;
	[sflag:s20] =	ssyncadd.s32 $0xFFFFC000  }
0x41: {  	[hbm4b:s31+s3] =	stream.linear.scatter [tilespmem:s8], [sflag:$0x2], $0x4000, $0x38;
	[tilespmem:$0x1C400] =	vst v63  }
0x42: {  	_ =	swait.ge [sflag:s22], $0x4000  }
0x43: {  	[sflag:s22] =	ssyncset.done $0x0  }
0x44: {  	[sflag:s22] =	ssyncadd.s32 $0xFFFFC000  }
0x45: {  	_ =	swait.ge [sflag:s22], $0x4000  }
0x46: {  	[sflag:s22] =	ssyncset.done $0x0  }
0x47: {  	[sflag:s22] =	ssyncadd.s32 $0xFFFFC000  }
0x48: {  	_ =	swait.ge [sflag:s22], $0x4000  }
0x49: {  	[sflag:s22] =	ssyncset.done $0x0  }
0x4a: {  	[sflag:s22] =	ssyncadd.s32 $0xFFFFC000  }
0x4b: {  	_ =	swait.ge [sflag:s22], $0x4000  }
0x4c: {  	[sflag:s22] =	ssyncset.done $0x0  }
0x4d: {  	[sflag:s22] =	ssyncadd.s32 $0xFFFFC000  }
0x4e: {  	_ =	swait.ge [sflag:s22], $0x4000  }
0x4f: {  	s1 =	rddreg [dreg:$0x4]  }
0x50: {  	s0 =	ssub.s32 $0x2, s1  }
0x51: {  	s1 =	sshrl.u32 s0, $0x1  }
0x52: {  	s0 =	ssub.s32 s0, s1  }
0x53: {  	s0 =	smax.u32 s0, $0x1  }
0x54: {  	[sflag:s22] =	ssyncset.done $0x0;
	p0 =	sne.s32 s0, $0x1  }
.Ltmp0:
0x55: {  	[sflag:s22] =	ssyncadd.s32 $0xFFFFC000;
	(pc) =	sbr.rel @!p0 .LBB2_2-.Ltmp0, $4  }
0x56: {  	_ =	swait.ge [sflag:s22], $0x4000  }
0x57: {  	[sflag:s22] =	ssyncset.done $0x0  }
0x58: {  	[sflag:s22] =	ssyncadd.s32 $0xFFFFC000  }
0x59: {  	s1 =	sadd.s32 $0xFFFFFFFF, s0;
	_ =	swait.ge [sflag:s22], $0x4000  }
.LBB2_1:
0x5a: {  	[sflag:s22] =	ssyncset.done $0x0  }
0x5b: {  	s0 =	rddreg [dreg:$0x3];
	[sflag:s22] =	ssyncadd.s32 $0xFFFFC000  }
0x5c: {  	[tilespmem:s3], [sflag:$0x3] =	stream.linear.gather [hbm4b:s0+s3], $0x200, $0x38;
	[tilespmem:$0x1C400] =	vst v63  }
0x5d: {  	_ =	swait.ge [sflag:s4], $0x200  }
0x5e: {  	[sflag:s4] =	ssyncset.done $0x0  }
0x5f: {  	[sflag:s4] =	ssyncadd.s32 $0xFFFFFE00  }
0x60: {  	[tilespmem:s6], [sflag:$0x3] =	stream.linear.gather [hbm4b:s5+s3], $0x200, $0x38;
	[tilespmem:$0x1C400] =	vst v63  }
0x61: {  	_ =	swait.ge [sflag:s4], $0x200  }
0x62: {  	[sflag:s4] =	ssyncset.done $0x0  }
0x63: {  	[sflag:s4] =	ssyncadd.s32 $0xFFFFFE00  }
0x64: {  	[tilespmem:s8], [sflag:$0x1] =	stream.indirect.gather [hbm4b:s2+s7], $0x80, s3, s7, $0xb8;
	[tilespmem:$0x1C400] =	vst v63  }
0x65: {  	_ = 	snop  }
0x66: {  	[tilespmem:s9], [sflag:$0x1] =	stream.indirect.gather [hbm4b:s2+s7], $0x80, s7, s7, $0xb8;
	[tilespmem:$0x1C400] =	vst v63  }
0x67: {  	_ = 	snop  }
0x68: {  	[tilespmem:s11], [sflag:$0x1] =	stream.indirect.gather [hbm4b:s2+s7], $0x80, s10, s7, $0xb8;
	[tilespmem:$0x1C400] =	vst v63  }
0x69: {  	_ = 	snop  }
0x6a: {  	[tilespmem:s13], [sflag:$0x1] =	stream.indirect.gather [hbm4b:s2+s7], $0x80, s12, s7, $0xb8;
	[tilespmem:$0x1C400] =	vst v63  }
0x6b: {  	_ = 	snop  }
0x6c: {  	[tilespmem:s15], [sflag:$0x1] =	stream.indirect.gather [hbm4b:s14+s7], $0x80, s6, s7, $0xb8;
	[tilespmem:$0x1C400] =	vst v63  }
0x6d: {  	_ = 	snop  }
0x6e: {  	[tilespmem:s17], [sflag:$0x1] =	stream.indirect.gather [hbm4b:s14+s7], $0x80, s16, s7, $0xb8;
	[tilespmem:$0x1C400] =	vst v63  }
0x6f: {  	_ = 	snop  }
0x70: {  	[tilespmem:s19], [sflag:$0x1] =	stream.indirect.gather [hbm4b:s14+s7], $0x80, s18, s7, $0xb8;
	[tilespmem:$0x1C400] =	vst v63  }
0x71: {  	_ =	swait.ge [sflag:s20], $0x4000  }
0x72: {  	[sflag:s20] =	ssyncset.done $0x0  }
0x73: {  	[sflag:s20] =	ssyncadd.s32 $0xFFFFC000  }
0x74: {  	[hbm4b:s21+s3] =	stream.linear.scatter [tilespmem:s8], [sflag:$0x2], $0x4000, $0x38;
	[tilespmem:$0x1C400] =	vst v63  }
0x75: {  	_ =	swait.ge [sflag:s22], $0x4000  }
0x76: {  	[sflag:s22] =	ssyncset.done $0x0  }
0x77: {  	[sflag:s22] =	ssyncadd.s32 $0xFFFFC000  }
0x78: {  	[tilespmem:s8], [sflag:$0x1] =	stream.indirect.gather [hbm4b:s14+s7], $0x80, s23, s7, $0xb8;
	[tilespmem:$0x1C400] =	vst v63  }
0x79: {  	_ =	swait.ge [sflag:s20], $0x4000  }
0x7a: {  	[sflag:s20] =	ssyncset.done $0x0  }
0x7b: {  	[sflag:s20] =	ssyncadd.s32 $0xFFFFC000  }
0x7c: {  	[hbm4b:s24+s3] =	stream.linear.scatter [tilespmem:s9], [sflag:$0x2], $0x4000, $0x38;
	[tilespmem:$0x1C400] =	vst v63  }
0x7d: {  	_ =	swait.ge [sflag:s20], $0x4000  }
0x7e: {  	[sflag:s20] =	ssyncset.done $0x0  }
0x7f: {  	[sflag:s20] =	ssyncadd.s32 $0xFFFFC000  }
0x80: {  	[hbm4b:s25+s3] =	stream.linear.scatter [tilespmem:s11], [sflag:$0x2], $0x4000, $0x38;
	[tilespmem:$0x1C400] =	vst v63  }
0x81: {  	_ =	swait.ge [sflag:s20], $0x4000  }
0x82: {  	[sflag:s20] =	ssyncset.done $0x0  }
0x83: {  	[sflag:s20] =	ssyncadd.s32 $0xFFFFC000  }
0x84: {  	[hbm4b:s26+s3] =	stream.linear.scatter [tilespmem:s13], [sflag:$0x2], $0x4000, $0x38;
	[tilespmem:$0x1C400] =	vst v63  }
0x85: {  	_ =	swait.ge [sflag:s20], $0x4000  }
0x86: {  	[sflag:s20] =	ssyncset.done $0x0  }
0x87: {  	[sflag:s20] =	ssyncadd.s32 $0xFFFFC000  }
0x88: {  	[hbm4b:s28+s3] =	stream.linear.scatter [tilespmem:s15], [sflag:$0x2], $0x4000, $0x38;
	[tilespmem:$0x1C400] =	vst v63  }
0x89: {  	_ =	swait.ge [sflag:s20], $0x4000  }
0x8a: {  	[sflag:s20] =	ssyncset.done $0x0  }
0x8b: {  	[sflag:s20] =	ssyncadd.s32 $0xFFFFC000  }
0x8c: {  	[hbm4b:s29+s3] =	stream.linear.scatter [tilespmem:s17], [sflag:$0x2], $0x4000, $0x38;
	[tilespmem:$0x1C400] =	vst v63  }
0x8d: {  	_ =	swait.ge [sflag:s20], $0x4000  }
0x8e: {  	[sflag:s20] =	ssyncset.done $0x0  }
0x8f: {  	[sflag:s20] =	ssyncadd.s32 $0xFFFFC000  }
0x90: {  	[hbm4b:s30+s3] =	stream.linear.scatter [tilespmem:s19], [sflag:$0x2], $0x4000, $0x38;
	[tilespmem:$0x1C400] =	vst v63  }
0x91: {  	_ =	swait.ge [sflag:s20], $0x4000  }
0x92: {  	[sflag:s20] =	ssyncset.done $0x0  }
0x93: {  	[sflag:s20] =	ssyncadd.s32 $0xFFFFC000  }
0x94: {  	[hbm4b:s31+s3] =	stream.linear.scatter [tilespmem:s8], [sflag:$0x2], $0x4000, $0x38;
	[tilespmem:$0x1C400] =	vst v63  }
0x95: {  	_ =	swait.ge [sflag:s22], $0x4000  }
0x96: {  	[sflag:s22] =	ssyncset.done $0x0  }
0x97: {  	[sflag:s22] =	ssyncadd.s32 $0xFFFFC000  }
0x98: {  	_ =	swait.ge [sflag:s22], $0x4000  }
0x99: {  	[sflag:s22] =	ssyncset.done $0x0  }
0x9a: {  	[sflag:s22] =	ssyncadd.s32 $0xFFFFC000  }
0x9b: {  	_ =	swait.ge [sflag:s22], $0x4000  }
0x9c: {  	[sflag:s22] =	ssyncset.done $0x0  }
0x9d: {  	[sflag:s22] =	ssyncadd.s32 $0xFFFFC000  }
0x9e: {  	_ =	swait.ge [sflag:s22], $0x4000  }
0x9f: {  	[sflag:s22] =	ssyncset.done $0x0  }
0xa0: {  	[sflag:s22] =	ssyncadd.s32 $0xFFFFC000  }
0xa1: {  	_ =	swait.ge [sflag:s22], $0x4000  }
0xa2: {  	p0 =	sne.s32 s1, $0x1;
	[sflag:s22] =	ssyncset.done $0x0  }
.Ltmp1:
0xa3: {  	[sflag:s22] =	ssyncadd.s32 $0xFFFFC000;
	(pc) =	sbr.rel @p0 .LBB2_1-.Ltmp1, $4  }
0xa4: {  	_ =	swait.ge [sflag:s22], $0x4000  }
0xa5: {  	[sflag:s22] =	ssyncset.done $0x0  }
0xa6: {  	[sflag:s22] =	ssyncadd.s32 $0xFFFFC000  }
0xa7: {  	s1 =	sadd.s32 $0xFFFFFFFF, s1;
	_ =	swait.ge [sflag:s22], $0x4000  }
.LBB2_2:
0xa8: {  	[sflag:s22] =	ssyncset.done $0x0  }
0xa9: {  	[sflag:s22] =	ssyncadd.s32 $0xFFFFC000  }
0xaa: {  	_ =	sfence.sel $0x180000  }
0xab: {  	[bflag:$0x0] =	sbarrier.arrive $0xFFFF  }
0xac: {  	_ =	strace $0x9000004A  }
0xad: {  	s0 =	stileid.u32;
	[bflag:$0x2] =	sbarrier.arrive $0xFFFF  }
0xae: {  	p0 =	sne.s32 s0, $0x0;
	s0 =	rddreg [dreg:$0x2]  }
0xaf: {  	s0 =	sadd.s32 @!p0 $0x100000, s0  }
0xb0: {  	[sflag:s0] =	ssyncadd.tile.s32 @!p0 $0x1;
	_ =	shalt  }
.Lfunc_end2:
_tile_overlayer_lowered:
.L_overlay_start_2:
0xb1: {  	(tag) =	ssettag $0x2  }
0xb2: {  	s0 =	rddreg [dreg:$0x0];
	s2 =	stileid.u32  }
0xb3: {  	s1 =	rddreg [dreg:$0x1];
	p0 =	sne.s32 s2, $0x0  }
0xb4: {  	s3 =	rddreg [dreg:$0x2];
	[bflag:$0x3] =	sbarrier.arrive $0xFFFF;
	s2 =	simm.s32 @!p0 $0x1C03  }
0xb5: {  	[timem:s3], [sflag:s2] =	dma.local @!p0 [hbm:s0], s1  }
0xb6: {  	s0 =	simm.s32 @!p0 $0x3  }
0xb7: {  	_ =	swait.ge @!p0 [sflag:s0], s1  }
0xb8: {  	s1 =	ssub.s32 @!p0 $0x0, s1;
	[sflag:s0] =	ssyncset.done @!p0 $0x0  }
0xb9: {  	[sflag:s0] =	ssyncadd.s32 @!p0 s1  }
0xba: {  	[bflag:$0x3] =	sbarrier.arrive $0xFFFF  }
0xbb: {  	_ =	shalt  }

</sc_bundles>
